<compile_context>
chip_gen: v7x
topology: tpu7x:2x2x1
jax: 0.10.2.dev20260603
libtpu: 0.0.44.dev20260713+nightly
codegen_flags: <defaults>
</compile_context>

<pallas_src>
import functools

import numpy as np
import jax
from jax import lax
import jax.numpy as jnp
from jax.experimental import pallas as pl
from jax.experimental.pallas import tpu as pltpu
from jax.experimental.pallas import tpu_sc as plsc

_B = 16
_N = 8192
_NPTS = 1024
_K = 32
_L = 16
_R = _N // _L



_ROT = [[13, 15, 26, 6], [17, 29, 16, 24]]


def _rotl(x, r):
    return ((x << np.uint32(r)) | (x >> np.uint32(32 - r))).astype(np.uint32)


def _tf2x32(k0, k1, x0, x1):
    k0 = np.asarray(k0, np.uint32)
    k1 = np.asarray(k1, np.uint32)
    ks = [k0, k1, (k0 ^ k1 ^ np.uint32(0x1BD11BDA)).astype(np.uint32)]
    x = [(np.asarray(x0, np.uint32) + ks[0]).astype(np.uint32),
         (np.asarray(x1, np.uint32) + ks[1]).astype(np.uint32)]
    for i in range(5):
        for r in _ROT[i % 2]:
            x[0] = (x[0] + x[1]).astype(np.uint32)
            x[1] = _rotl(x[1], r)
            x[1] = (x[1] ^ x[0]).astype(np.uint32)
        x[0] = (x[0] + ks[(i + 1) % 3]).astype(np.uint32)
        x[1] = (x[1] + ks[(i + 2) % 3] + np.uint32(i + 1)).astype(np.uint32)
    return x[0], x[1]


def _rng_tables():
    seed = np.array([0, 42], np.uint32)
    bs = np.arange(_B, dtype=np.uint32)
    k0, k1 = _tf2x32(seed[0], seed[1], np.zeros(_B, np.uint32), bs)
    hb = np.zeros((_B, _NPTS), np.uint32)
    lb = np.zeros((_B, _NPTS), np.uint32)
    z = np.zeros(_B, np.uint32)
    for i in range(_NPTS):
        a0, a1 = _tf2x32(k0, k1, z, z)
        b0, b1 = _tf2x32(k0, k1, z, z + np.uint32(1))
        c0, c1 = _tf2x32(b0, b1, z, z)
        d0, d1 = _tf2x32(b0, b1, z, z + np.uint32(1))
        e0, e1 = _tf2x32(c0, c1, z, z)
        f0, f1 = _tf2x32(d0, d1, z, z)
        hb[:, i] = e0 ^ e1
        lb[:, i] = f0 ^ f1
        k0, k1 = a0, a1
    return hb, lb


_HB_NP, _LB_NP = _rng_tables()

_INF = float(np.inf)
_BIG = 1 << 30


def _splat_i(s):
    return jnp.zeros((_L,), jnp.int32) + s


def _splat_f(s):
    return jnp.zeros((_L,), jnp.float32) + s


def _bar(v):
    return plsc.bitcast(plsc.bitcast(v, jnp.int32), jnp.float32)


def _sc_body(x_hbm, y_hbm, z_hbm, hb_hbm, lb_hbm, idx_hbm, pts_hbm,
             xv, yv, zv, uv, dv, hbv, lbv, idsv, ptsv, sem):
    core = lax.axis_index("c")
    sub = lax.axis_index("s")
    b = sub * 2 + core

    @pl.when(sub < 8)
    def _():
        lane = lax.broadcasted_iota(jnp.int32, (_L,), 0)

        pltpu.sync_copy(x_hbm.at[b], xv)
        pltpu.sync_copy(y_hbm.at[b], yv)
        pltpu.sync_copy(z_hbm.at[b], zv)
        pltpu.sync_copy(hb_hbm.at[b], hbv)
        pltpu.sync_copy(lb_hbm.at[b], lbv)

        def _init(t, carry):
            uv[pl.ds(t * _L, _L)] = jnp.zeros((_L,), jnp.int32)
            return carry

        lax.fori_loop(0, _R, _init, 0)

        def step(i, cid):
            def sc1(t, carry):
                cnt_v, umin_v = carry
                v = uv[pl.ds(t * _L, _L)]
                mk = (v == cid)
                cnt_v = cnt_v + plsc.all_reduce_population_count(mk)
                umin_v = jnp.minimum(umin_v, v)
                return cnt_v, umin_v

            cnt_v, umin_v = lax.fori_loop(
                0, _R, sc1, (_splat_i(0), _splat_i(_BIG)))
            cnt0 = jnp.min(cnt_v)
            umin = jnp.min(umin_v)

            def _recount(_):
                def sc2(t, acc):
                    v = uv[pl.ds(t * _L, _L)]
                    return acc + plsc.all_reduce_population_count(v == umin)

                return umin, jnp.min(lax.fori_loop(0, _R, sc2, _splat_i(0)))

            def _keep(_):
                return cid, cnt0

            cid, cnt = lax.cond(cnt0 == 0, _recount, _keep, 0)

            span = jnp.maximum(cnt, 1).astype(jnp.uint32)
            hbu = plsc.bitcast(plsc.load_gather(hbv, [_splat_i(i)]),
                               jnp.uint32)
            lbu = plsc.bitcast(plsc.load_gather(lbv, [_splat_i(i)]),
                               jnp.uint32)
            m1 = jnp.uint32(1 << 16) % span
            mult = (m1 * m1) % span
            r_v = ((hbu % span) * mult + (lbu % span)) % span
            r = jnp.min(r_v.astype(jnp.int32))
            want = r + 1

            def sc3(t, carry):
                acc, found = carry
                v = uv[pl.ds(t * _L, _L)]
                mk = (v == cid)
                pc = jnp.min(plsc.all_reduce_population_count(mk))
                cs = plsc.cumsum(mk.astype(jnp.int32))
                hitl = (cs == (want - acc)) & mk
                l = jnp.min(plsc.all_reduce_ffs(hitl))
                crossing = (acc < want) & (acc + pc >= want)
                found = jnp.where(crossing, t * _L + l, found)
                return acc + pc, found

            _, index = lax.fori_loop(0, _R, sc3, (0, _BIG))

            iv = _splat_i(index)
            px = plsc.load_gather(xv, [iv])
            py = plsc.load_gather(yv, [iv])
            pz = plsc.load_gather(zv, [iv])

            def sc4(t, carry):
                bd, bi = carry
                dx = xv[pl.ds(t * _L, _L)] - px
                dy = yv[pl.ds(t * _L, _L)] - py
                dz = zv[pl.ds(t * _L, _L)] - pz
                sx = _bar(dx * dx)
                sy = _bar(dy * dy)
                sz = _bar(dz * dz)
                d = _bar(sx + sy) + sz
                dv[pl.ds(t * _L, _L)] = d
                jv = lane + t * _L
                take = d < bd
                bd = jnp.where(take, d, bd)
                bi = jnp.where(take, jv, bi)
                return bd, bi

            bd, bi = lax.fori_loop(0, _R, sc4, (_splat_f(_INF),
                                                _splat_i(_BIG)))

            def pop(k, carry):
                bd, bi = carry
                m = jnp.min(bd)
                g = jnp.min(jnp.where(bd == m, bi, _BIG))
                ms = _splat_f(m)
                gs = _splat_i(g)
                plsc.store_scatter(idsv, [_splat_i(i * _K + k)], gs,
                                   mask=(lane == 0))
                plsc.addupdate_scatter(uv, [gs], _splat_i(1), mask=(lane == 0))
                lstar = g & (_L - 1)

                def rs(t, c):
                    cd, ci = c
                    addr = t * (_L * _L) + lane * _L + lstar
                    gd = plsc.load_gather(dv, [addr])
                    ok = (gd > ms) | ((gd == ms) & (addr > gs))
                    lt = ok & ((gd < cd) | ((gd == cd) & (addr < ci)))
                    cd = jnp.where(lt, gd, cd)
                    ci = jnp.where(lt, addr, ci)
                    return cd, ci

                cd, ci = lax.fori_loop(0, _R // _L, rs,
                                       (_splat_f(_INF), _splat_i(_BIG)))
                nm = jnp.min(cd)
                ng = jnp.min(jnp.where(cd == nm, ci, _BIG))
                at = (lane == lstar)
                bd = jnp.where(at, _splat_f(nm), bd)
                bi = jnp.where(at, _splat_i(ng), bi)
                return bd, bi

            lax.fori_loop(0, _K, pop, (bd, bi))

            plsc.addupdate_scatter(uv, [iv], _splat_i(100), mask=(lane == 0))

            pv = jnp.where(lane == 0, px,
                           jnp.where(lane == 1, py, pz))
            plsc.store_scatter(ptsv, [_splat_i(3 * i) + lane], pv, mask=(lane < 3))
            return cid

        lax.fori_loop(0, _NPTS, step, 0)

        pltpu.sync_copy(idsv, idx_hbm.at[b])
        pltpu.sync_copy(ptsv, pts_hbm.at[b])


@jax.jit
def _run_sc(xyz1):
    x = xyz1[:, :, 0]
    y = xyz1[:, :, 1]
    z = xyz1[:, :, 2]
    hb = jnp.asarray(_HB_NP.astype(np.int32))
    lb = jnp.asarray(_LB_NP.astype(np.int32))
    mesh = plsc.VectorSubcoreMesh(core_axis_name="c", subcore_axis_name="s")
    kfn = functools.partial(
        pl.kernel,
        mesh=mesh,
        compiler_params=pltpu.CompilerParams(needs_layout_passes=False),
        out_type=[
            jax.ShapeDtypeStruct((_B, _NPTS * _K), jnp.int32),
            jax.ShapeDtypeStruct((_B, _NPTS * 3), jnp.float32),
        ],
        scratch_types=[
            pltpu.VMEM((_N,), jnp.float32),
            pltpu.VMEM((_N,), jnp.float32),
            pltpu.VMEM((_N,), jnp.float32),
            pltpu.VMEM((_N,), jnp.int32),
            pltpu.VMEM((_N,), jnp.float32),
            pltpu.VMEM((_NPTS,), jnp.int32),
            pltpu.VMEM((_NPTS,), jnp.int32),
            pltpu.VMEM((_NPTS * _K,), jnp.int32),
            pltpu.VMEM((_NPTS * 3,), jnp.float32),
            pltpu.SemaphoreType.DMA,
        ],
    )
    idx, pts = kfn(_sc_body)(x, y, z, hb, lb)
    idx = jnp.reshape(idx, (_B, _NPTS, _K))[..., None]
    pts = jnp.reshape(pts, (_B, _NPTS, 3))
    return idx, pts


def kernel(xyz1):
    return _run_sc(jax.lax.stop_gradient(xyz1))

# --- scband reference (transcript-rebuilt; emitter-appended) ---
"""Pipeline reference for scband-sample-nearest-neighbors-layer-70677981823087 (READ-ONLY COPY).

The authoritative reference and input builder live on the scoring server;
editing this copy changes nothing except your own understanding.
"""

import jax, jax.numpy as jnp
import numpy as np

NEIGHBORS = 32
NQUERIES = 1024


def setup_inputs(seed: int = 0) -> dict:
    key = jax.random.key(seed)
    xyz1 = jax.random.normal(key, (16, 8192, 3), dtype=jnp.float32)
    return {"xyz1": xyz1}


def _sample_one(xyz, key, npts, K):
    # Faithful port of indices_conv_reduction for a single batch element.
    n = xyz.shape[0]

    def body(i, carry):
        used, current_id, indices, points, k = carry
        k, k1 = jax.random.split(k)
        mask = (used == current_id)
        cnt = jnp.sum(mask)
        # if no point has usage == current_id, reset current_id to min(used)
        current_id = jnp.where(cnt == 0, jnp.min(used), current_id)
        mask = (used == current_id)
        cnt = jnp.sum(mask)
        # uniformly pick one of the possible ids (r-th True position in mask)
        r = jax.random.randint(k1, (), 0, jnp.maximum(cnt, 1))
        csum = jnp.cumsum(mask.astype(jnp.int32))
        index = jnp.argmax(csum == (r + 1))
        pt = xyz[index]
        d = jnp.sum(jnp.square(xyz - pt[None, :]), axis=1)
        _, ids = jax.lax.top_k(-d, K)
        used = used.at[ids].add(1)
        used = used.at[index].add(100)
        indices = indices.at[i].set(ids.astype(jnp.int32)[:, None])
        points = points.at[i].set(pt)
        return (used, current_id, indices, points, k)

    init = (jnp.zeros((n,), jnp.int32), jnp.int32(0),
            jnp.zeros((npts, K, 1), jnp.int32),
            jnp.zeros((npts, 3), jnp.float32), key)
    _, _, indices, points, _ = jax.lax.fori_loop(0, npts, body, init)
    return indices, points


def reference(xyz1):
    xyz1 = jax.lax.stop_gradient(xyz1)
    b = xyz1.shape[0]
    keys = jax.random.split(jax.random.key(42), b)
    idx, pts = jax.vmap(lambda x, k: _sample_one(x, k, NQUERIES, NEIGHBORS))(xyz1, keys)
    return idx, pts

if __name__ == "__main__":
    import jax
    _d = setup_inputs()
    print(jax.jit(kernel)(*tuple(_d.values())))

</pallas_src>

<mosaic_0001>
#map = affine_map<(d0, d1) -> (0, 0)>
module attributes {stable_mosaic.version = 14 : i64} {
  func.func @_sc_body(%arg0: i32, %arg1: i32, %arg2: memref<16x8192xf32, #tpu.memory_space<hbm>>, %arg3: memref<16x8192xf32, #tpu.memory_space<hbm>>, %arg4: memref<16x8192xf32, #tpu.memory_space<hbm>>, %arg5: memref<16x1024xi32, #tpu.memory_space<hbm>>, %arg6: memref<16x1024xi32, #tpu.memory_space<hbm>>, %arg7: memref<16x32768xi32, #tpu.memory_space<hbm>>, %arg8: memref<16x3072xf32, #tpu.memory_space<hbm>>, %arg9: memref<8192xf32, #tpu.memory_space<vmem>>, %arg10: memref<8192xf32, #tpu.memory_space<vmem>>, %arg11: memref<8192xf32, #tpu.memory_space<vmem>>, %arg12: memref<8192xi32, #tpu.memory_space<vmem>>, %arg13: memref<8192xf32, #tpu.memory_space<vmem>>, %arg14: memref<1024xi32, #tpu.memory_space<vmem>>, %arg15: memref<1024xi32, #tpu.memory_space<vmem>>, %arg16: memref<32768xi32, #tpu.memory_space<vmem>>, %arg17: memref<3072xf32, #tpu.memory_space<vmem>>, %arg18: memref<!tpu.dma_semaphore, #tpu.memory_space<semaphore_mem>>) attributes {dimension_semantics = [#tpu.dimension_semantics<core_parallel>, #tpu.dimension_semantics<subcore_parallel>], iteration_bounds = array<i64: 2, 16>, scalar_prefetch = 0 : i64, scratch_operands = 10 : i64, tpu.core_type = #tpu.core_type<sc_vector_subcore>, window_params = [{transform_indices = #map}, {transform_indices = #map}, {transform_indices = #map}, {transform_indices = #map}, {transform_indices = #map}, {transform_indices = #map}, {transform_indices = #map}]} {
    %mul3A = arith.constant 2 : i32
    %mul3A_0 = arith.muli %arg1, %mul3A : i32
    %add3A = arith.addi %mul3A_0, %arg0 : i32
    %lt3A = arith.constant 8 : i32
    %lt3A_1 = arith.cmpi slt, %arg1, %lt3A : i32
    %convert_element_type3A = arith.extui %lt3A_1 : i1 to i32
    %cond3A = arith.constant 0 : i32
    %cond3A_2 = arith.cmpi ne, %convert_element_type3A, %cond3A : i32
    scf.if %cond3A_2 {
      %iota3A = tpu.iota {dimensions = array<i32: 0>} : vector<16xi32>
      "tpu.region"() ({
        %run_scoped3A = tpu.sem_alloc : memref<!tpu.dma_semaphore, #tpu.memory_space<semaphore_mem>>
        %dma_start3A = arith.constant 0 : i32
        %dma_start3A_15 = tpu.memref_slice %arg2[%add3A, %dma_start3A] : memref<16x8192xf32, #tpu.memory_space<hbm>> -> memref<1x8192xf32, #tpu.memory_space<hbm>>
        %dma_start3A_16 = tpu.memref_squeeze %dma_start3A_15 : memref<1x8192xf32, #tpu.memory_space<hbm>> -> memref<8192xf32, #tpu.memory_space<hbm>>
        %dma_start3A_17 = arith.constant 0 : i32
        %dma_start3A_18 = tpu.memref_slice %arg2[%add3A, %dma_start3A_17] : memref<16x8192xf32, #tpu.memory_space<hbm>> -> memref<1x8192xf32, #tpu.memory_space<hbm>>
        %dma_start3A_19 = tpu.memref_squeeze %dma_start3A_18 : memref<1x8192xf32, #tpu.memory_space<hbm>> -> memref<8192xf32, #tpu.memory_space<hbm>>
        tpu.enqueue_dma source(%dma_start3A_19 : memref<8192xf32, #tpu.memory_space<hbm>>) target(%arg9 : memref<8192xf32, #tpu.memory_space<vmem>>) target_semaphore(%run_scoped3A : memref<!tpu.dma_semaphore, #tpu.memory_space<semaphore_mem>>)
        %dma_wait3A = arith.constant 0 : i32
        %dma_wait3A_20 = tpu.memref_slice %arg2[%add3A, %dma_wait3A] : memref<16x8192xf32, #tpu.memory_space<hbm>> -> memref<1x8192xf32, #tpu.memory_space<hbm>>
        %dma_wait3A_21 = tpu.memref_squeeze %dma_wait3A_20 : memref<1x8192xf32, #tpu.memory_space<hbm>> -> memref<8192xf32, #tpu.memory_space<hbm>>
        %dma_wait3A_22 = arith.constant 0 : i32
        %dma_wait3A_23 = tpu.memref_slice %arg2[%add3A, %dma_wait3A_22] : memref<16x8192xf32, #tpu.memory_space<hbm>> -> memref<1x8192xf32, #tpu.memory_space<hbm>>
        %dma_wait3A_24 = tpu.memref_squeeze %dma_wait3A_23 : memref<1x8192xf32, #tpu.memory_space<hbm>> -> memref<8192xf32, #tpu.memory_space<hbm>>
        tpu.wait_dma2 semaphore(%run_scoped3A : memref<!tpu.dma_semaphore, #tpu.memory_space<semaphore_mem>>) src(%dma_wait3A_24 : memref<8192xf32, #tpu.memory_space<hbm>>) dst(%arg9 : memref<8192xf32, #tpu.memory_space<vmem>>)
        tpu.yield
      }) : () -> ()
      "tpu.region"() ({
        %run_scoped3A = tpu.sem_alloc : memref<!tpu.dma_semaphore, #tpu.memory_space<semaphore_mem>>
        %dma_start3A = arith.constant 0 : i32
        %dma_start3A_15 = tpu.memref_slice %arg3[%add3A, %dma_start3A] : memref<16x8192xf32, #tpu.memory_space<hbm>> -> memref<1x8192xf32, #tpu.memory_space<hbm>>
        %dma_start3A_16 = tpu.memref_squeeze %dma_start3A_15 : memref<1x8192xf32, #tpu.memory_space<hbm>> -> memref<8192xf32, #tpu.memory_space<hbm>>
        %dma_start3A_17 = arith.constant 0 : i32
        %dma_start3A_18 = tpu.memref_slice %arg3[%add3A, %dma_start3A_17] : memref<16x8192xf32, #tpu.memory_space<hbm>> -> memref<1x8192xf32, #tpu.memory_space<hbm>>
        %dma_start3A_19 = tpu.memref_squeeze %dma_start3A_18 : memref<1x8192xf32, #tpu.memory_space<hbm>> -> memref<8192xf32, #tpu.memory_space<hbm>>
        tpu.enqueue_dma source(%dma_start3A_19 : memref<8192xf32, #tpu.memory_space<hbm>>) target(%arg10 : memref<8192xf32, #tpu.memory_space<vmem>>) target_semaphore(%run_scoped3A : memref<!tpu.dma_semaphore, #tpu.memory_space<semaphore_mem>>)
        %dma_wait3A = arith.constant 0 : i32
        %dma_wait3A_20 = tpu.memref_slice %arg3[%add3A, %dma_wait3A] : memref<16x8192xf32, #tpu.memory_space<hbm>> -> memref<1x8192xf32, #tpu.memory_space<hbm>>
        %dma_wait3A_21 = tpu.memref_squeeze %dma_wait3A_20 : memref<1x8192xf32, #tpu.memory_space<hbm>> -> memref<8192xf32, #tpu.memory_space<hbm>>
        %dma_wait3A_22 = arith.constant 0 : i32
        %dma_wait3A_23 = tpu.memref_slice %arg3[%add3A, %dma_wait3A_22] : memref<16x8192xf32, #tpu.memory_space<hbm>> -> memref<1x8192xf32, #tpu.memory_space<hbm>>
        %dma_wait3A_24 = tpu.memref_squeeze %dma_wait3A_23 : memref<1x8192xf32, #tpu.memory_space<hbm>> -> memref<8192xf32, #tpu.memory_space<hbm>>
        tpu.wait_dma2 semaphore(%run_scoped3A : memref<!tpu.dma_semaphore, #tpu.memory_space<semaphore_mem>>) src(%dma_wait3A_24 : memref<8192xf32, #tpu.memory_space<hbm>>) dst(%arg10 : memref<8192xf32, #tpu.memory_space<vmem>>)
        tpu.yield
      }) : () -> ()
      "tpu.region"() ({
        %run_scoped3A = tpu.sem_alloc : memref<!tpu.dma_semaphore, #tpu.memory_space<semaphore_mem>>
        %dma_start3A = arith.constant 0 : i32
        %dma_start3A_15 = tpu.memref_slice %arg4[%add3A, %dma_start3A] : memref<16x8192xf32, #tpu.memory_space<hbm>> -> memref<1x8192xf32, #tpu.memory_space<hbm>>
        %dma_start3A_16 = tpu.memref_squeeze %dma_start3A_15 : memref<1x8192xf32, #tpu.memory_space<hbm>> -> memref<8192xf32, #tpu.memory_space<hbm>>
        %dma_start3A_17 = arith.constant 0 : i32
        %dma_start3A_18 = tpu.memref_slice %arg4[%add3A, %dma_start3A_17] : memref<16x8192xf32, #tpu.memory_space<hbm>> -> memref<1x8192xf32, #tpu.memory_space<hbm>>
        %dma_start3A_19 = tpu.memref_squeeze %dma_start3A_18 : memref<1x8192xf32, #tpu.memory_space<hbm>> -> memref<8192xf32, #tpu.memory_space<hbm>>
        tpu.enqueue_dma source(%dma_start3A_19 : memref<8192xf32, #tpu.memory_space<hbm>>) target(%arg11 : memref<8192xf32, #tpu.memory_space<vmem>>) target_semaphore(%run_scoped3A : memref<!tpu.dma_semaphore, #tpu.memory_space<semaphore_mem>>)
        %dma_wait3A = arith.constant 0 : i32
        %dma_wait3A_20 = tpu.memref_slice %arg4[%add3A, %dma_wait3A] : memref<16x8192xf32, #tpu.memory_space<hbm>> -> memref<1x8192xf32, #tpu.memory_space<hbm>>
        %dma_wait3A_21 = tpu.memref_squeeze %dma_wait3A_20 : memref<1x8192xf32, #tpu.memory_space<hbm>> -> memref<8192xf32, #tpu.memory_space<hbm>>
        %dma_wait3A_22 = arith.constant 0 : i32
        %dma_wait3A_23 = tpu.memref_slice %arg4[%add3A, %dma_wait3A_22] : memref<16x8192xf32, #tpu.memory_space<hbm>> -> memref<1x8192xf32, #tpu.memory_space<hbm>>
        %dma_wait3A_24 = tpu.memref_squeeze %dma_wait3A_23 : memref<1x8192xf32, #tpu.memory_space<hbm>> -> memref<8192xf32, #tpu.memory_space<hbm>>
        tpu.wait_dma2 semaphore(%run_scoped3A : memref<!tpu.dma_semaphore, #tpu.memory_space<semaphore_mem>>) src(%dma_wait3A_24 : memref<8192xf32, #tpu.memory_space<hbm>>) dst(%arg11 : memref<8192xf32, #tpu.memory_space<vmem>>)
        tpu.yield
      }) : () -> ()
      "tpu.region"() ({
        %run_scoped3A = tpu.sem_alloc : memref<!tpu.dma_semaphore, #tpu.memory_space<semaphore_mem>>
        %dma_start3A = arith.constant 0 : i32
        %dma_start3A_15 = tpu.memref_slice %arg5[%add3A, %dma_start3A] : memref<16x1024xi32, #tpu.memory_space<hbm>> -> memref<1x1024xi32, #tpu.memory_space<hbm>>
        %dma_start3A_16 = tpu.memref_squeeze %dma_start3A_15 : memref<1x1024xi32, #tpu.memory_space<hbm>> -> memref<1024xi32, #tpu.memory_space<hbm>>
        %dma_start3A_17 = arith.constant 0 : i32
        %dma_start3A_18 = tpu.memref_slice %arg5[%add3A, %dma_start3A_17] : memref<16x1024xi32, #tpu.memory_space<hbm>> -> memref<1x1024xi32, #tpu.memory_space<hbm>>
        %dma_start3A_19 = tpu.memref_squeeze %dma_start3A_18 : memref<1x1024xi32, #tpu.memory_space<hbm>> -> memref<1024xi32, #tpu.memory_space<hbm>>
        tpu.enqueue_dma source(%dma_start3A_19 : memref<1024xi32, #tpu.memory_space<hbm>>) target(%arg14 : memref<1024xi32, #tpu.memory_space<vmem>>) target_semaphore(%run_scoped3A : memref<!tpu.dma_semaphore, #tpu.memory_space<semaphore_mem>>)
        %dma_wait3A = arith.constant 0 : i32
        %dma_wait3A_20 = tpu.memref_slice %arg5[%add3A, %dma_wait3A] : memref<16x1024xi32, #tpu.memory_space<hbm>> -> memref<1x1024xi32, #tpu.memory_space<hbm>>
        %dma_wait3A_21 = tpu.memref_squeeze %dma_wait3A_20 : memref<1x1024xi32, #tpu.memory_space<hbm>> -> memref<1024xi32, #tpu.memory_space<hbm>>
        %dma_wait3A_22 = arith.constant 0 : i32
        %dma_wait3A_23 = tpu.memref_slice %arg5[%add3A, %dma_wait3A_22] : memref<16x1024xi32, #tpu.memory_space<hbm>> -> memref<1x1024xi32, #tpu.memory_space<hbm>>
        %dma_wait3A_24 = tpu.memref_squeeze %dma_wait3A_23 : memref<1x1024xi32, #tpu.memory_space<hbm>> -> memref<1024xi32, #tpu.memory_space<hbm>>
        tpu.wait_dma2 semaphore(%run_scoped3A : memref<!tpu.dma_semaphore, #tpu.memory_space<semaphore_mem>>) src(%dma_wait3A_24 : memref<1024xi32, #tpu.memory_space<hbm>>) dst(%arg14 : memref<1024xi32, #tpu.memory_space<vmem>>)
        tpu.yield
      }) : () -> ()
      "tpu.region"() ({
        %run_scoped3A = tpu.sem_alloc : memref<!tpu.dma_semaphore, #tpu.memory_space<semaphore_mem>>
        %dma_start3A = arith.constant 0 : i32
        %dma_start3A_15 = tpu.memref_slice %arg6[%add3A, %dma_start3A] : memref<16x1024xi32, #tpu.memory_space<hbm>> -> memref<1x1024xi32, #tpu.memory_space<hbm>>
        %dma_start3A_16 = tpu.memref_squeeze %dma_start3A_15 : memref<1x1024xi32, #tpu.memory_space<hbm>> -> memref<1024xi32, #tpu.memory_space<hbm>>
        %dma_start3A_17 = arith.constant 0 : i32
        %dma_start3A_18 = tpu.memref_slice %arg6[%add3A, %dma_start3A_17] : memref<16x1024xi32, #tpu.memory_space<hbm>> -> memref<1x1024xi32, #tpu.memory_space<hbm>>
        %dma_start3A_19 = tpu.memref_squeeze %dma_start3A_18 : memref<1x1024xi32, #tpu.memory_space<hbm>> -> memref<1024xi32, #tpu.memory_space<hbm>>
        tpu.enqueue_dma source(%dma_start3A_19 : memref<1024xi32, #tpu.memory_space<hbm>>) target(%arg15 : memref<1024xi32, #tpu.memory_space<vmem>>) target_semaphore(%run_scoped3A : memref<!tpu.dma_semaphore, #tpu.memory_space<semaphore_mem>>)
        %dma_wait3A = arith.constant 0 : i32
        %dma_wait3A_20 = tpu.memref_slice %arg6[%add3A, %dma_wait3A] : memref<16x1024xi32, #tpu.memory_space<hbm>> -> memref<1x1024xi32, #tpu.memory_space<hbm>>
        %dma_wait3A_21 = tpu.memref_squeeze %dma_wait3A_20 : memref<1x1024xi32, #tpu.memory_space<hbm>> -> memref<1024xi32, #tpu.memory_space<hbm>>
        %dma_wait3A_22 = arith.constant 0 : i32
        %dma_wait3A_23 = tpu.memref_slice %arg6[%add3A, %dma_wait3A_22] : memref<16x1024xi32, #tpu.memory_space<hbm>> -> memref<1x1024xi32, #tpu.memory_space<hbm>>
        %dma_wait3A_24 = tpu.memref_squeeze %dma_wait3A_23 : memref<1x1024xi32, #tpu.memory_space<hbm>> -> memref<1024xi32, #tpu.memory_space<hbm>>
        tpu.wait_dma2 semaphore(%run_scoped3A : memref<!tpu.dma_semaphore, #tpu.memory_space<semaphore_mem>>) src(%dma_wait3A_24 : memref<1024xi32, #tpu.memory_space<hbm>>) dst(%arg15 : memref<1024xi32, #tpu.memory_space<vmem>>)
        tpu.yield
      }) : () -> ()
      %scan3A = arith.constant 0 : i32
      %scan3A_3 = arith.constant 0 : i32
      %scan3A_4 = arith.constant 512 : i32
      %scan3A_5 = arith.addi %scan3A_3, %scan3A_4 : i32
      %scan3A_6 = arith.constant 1 : i32
      scf.for %scan3A_15 = %scan3A_3 to %scan3A_5 step %scan3A_6  : i32 {
        %broadcast_in_dim3A = arith.constant 0 : i32
        %broadcast_in_dim3A_16 = vector.broadcast %broadcast_in_dim3A : i32 to vector<16xi32>
        %mul3A_17 = arith.constant 16 : i32
        %mul3A_18 = arith.muli %scan3A_15, %mul3A_17 : i32
        %swap3A = arith.index_cast %mul3A_18 : i32 to index
        %swap3A_19 = tpu.vector_load %arg12[%swap3A] {strides = array<i32>} : memref<8192xi32, #tpu.memory_space<vmem>>, vector<16xi32>,
        tpu.vector_store %arg12[%swap3A], %broadcast_in_dim3A_16 {strides = array<i32>} : memref<8192xi32, #tpu.memory_space<vmem>>, vector<16xi32>,
      }
      %scan3A_7 = arith.constant 512 : i32
      %scan3A_8 = arith.constant 0 : i32
      %scan3A_9 = arith.constant 0 : i32
      %scan3A_10 = arith.constant 1024 : i32
      %scan3A_11 = arith.addi %scan3A_9, %scan3A_10 : i32
      %scan3A_12 = arith.constant 1 : i32
      %scan3A_13 = scf.for %scan3A_15 = %scan3A_9 to %scan3A_11 step %scan3A_12 iter_args(%scan3A_16 = %scan3A_8) -> (i32)  : i32 {
        %broadcast_in_dim3A = arith.constant 0 : i32
        %broadcast_in_dim3A_17 = vector.broadcast %broadcast_in_dim3A : i32 to vector<16xi32>
        %add3A_18 = arith.constant 0 : i32
        %add3A_19 = vector.broadcast %add3A_18 : i32 to vector<16xi32>
        %add3A_20 = arith.addi %broadcast_in_dim3A_17, %add3A_19 : vector<16xi32>
        %broadcast_in_dim3A_21 = arith.constant 0 : i32
        %broadcast_in_dim3A_22 = vector.broadcast %broadcast_in_dim3A_21 : i32 to vector<16xi32>
        %add3A_23 = arith.constant 1073741824 : i32
        %add3A_24 = vector.broadcast %add3A_23 : i32 to vector<16xi32>
        %add3A_25 = arith.addi %broadcast_in_dim3A_22, %add3A_24 : vector<16xi32>
        %scan3A_26 = arith.constant 0 : i32
        %scan3A_27 = arith.constant 512 : i32
        %scan3A_28 = arith.addi %scan3A_26, %scan3A_27 : i32
        %scan3A_29 = arith.constant 1 : i32
        %scan3A_30:2 = scf.for %scan3A_230 = %scan3A_26 to %scan3A_28 step %scan3A_29 iter_args(%scan3A_231 = %add3A_20, %scan3A_232 = %add3A_25) -> (vector<16xi32>, vector<16xi32>)  : i32 {
          %mul3A_233 = arith.constant 16 : i32
          %mul3A_234 = arith.muli %scan3A_230, %mul3A_233 : i32
          %get3A = arith.index_cast %mul3A_234 : i32 to index
          %get3A_235 = tpu.vector_load %arg12[%get3A] {strides = array<i32>} : memref<8192xi32, #tpu.memory_space<vmem>>, vector<16xi32>,
          %eq3A_236 = vector.broadcast %scan3A_16 : i32 to vector<16xi32>
          %eq3A_237 = arith.cmpi eq, %get3A_235, %eq3A_236 : vector<16xi32>
          %all_reduce_population_count3A = tpu.all_reduce %eq3A_237 {dim = 0 : i64, kind = #tpu.reduction_kind<sum>} : vector<16xi1> -> vector<16xi32>
          %add3A_238 = arith.addi %scan3A_231, %all_reduce_population_count3A : vector<16xi32>
          %min3A = arith.minsi %scan3A_232, %get3A_235 : vector<16xi32>
          scf.yield %add3A_238, %min3A : vector<16xi32>, vector<16xi32>
        }
        %scan3A_31 = arith.constant 512 : i32
        %reduce_min3A = arith.constant true
        %reduce_min3A_32 = vector.broadcast %reduce_min3A : i1 to vector<16xi1>
        %reduce_min3A_33 = arith.constant -2147483648 : i32
        %reduce_min3A_34 = vector.broadcast %reduce_min3A_33 : i32 to vector<16xi32>
        %reduce_min3A_35 = arith.xori %scan3A_30#0, %reduce_min3A_34 : vector<16xi32>
        %reduce_min3A_36 = tpu.scan <min>, %reduce_min3A_35 masked %reduce_min3A_32 : vector<16xi32>, vector<16xi1> -> vector<16xi32>
        %reduce_min3A_37 = arith.xori %reduce_min3A_36, %reduce_min3A_34 : vector<16xi32>
        %reduce_min3A_38 = vector.extract %reduce_min3A_37[15] : i32 from vector<16xi32>
        %reduce_min3A_39 = arith.constant true
        %reduce_min3A_40 = vector.broadcast %reduce_min3A_39 : i1 to vector<16xi1>
        %reduce_min3A_41 = arith.constant -2147483648 : i32
        %reduce_min3A_42 = vector.broadcast %reduce_min3A_41 : i32 to vector<16xi32>
        %reduce_min3A_43 = arith.xori %scan3A_30#1, %reduce_min3A_42 : vector<16xi32>
        %reduce_min3A_44 = tpu.scan <min>, %reduce_min3A_43 masked %reduce_min3A_40 : vector<16xi32>, vector<16xi1> -> vector<16xi32>
        %reduce_min3A_45 = arith.xori %reduce_min3A_44, %reduce_min3A_42 : vector<16xi32>
        %reduce_min3A_46 = vector.extract %reduce_min3A_45[15] : i32 from vector<16xi32>
        %eq3A = arith.constant 0 : i32
        %eq3A_47 = arith.cmpi eq, %reduce_min3A_38, %eq3A : i32
        %convert_element_type3A_48 = arith.extui %eq3A_47 : i1 to i32
        %cond3A_49 = arith.constant 0 : i32
        %cond3A_50 = arith.constant 0 : i32
        %cond3A_51 = arith.cmpi ne, %convert_element_type3A_48, %cond3A_50 : i32
        %cond3A_52:2 = scf.if %cond3A_51 -> (i32, i32) {
          %broadcast_in_dim3A_230 = arith.constant 0 : i32
          %broadcast_in_dim3A_231 = vector.broadcast %broadcast_in_dim3A_230 : i32 to vector<16xi32>
          %add3A_232 = arith.constant 0 : i32
          %add3A_233 = vector.broadcast %add3A_232 : i32 to vector<16xi32>
          %add3A_234 = arith.addi %broadcast_in_dim3A_231, %add3A_233 : vector<16xi32>
          %scan3A_235 = arith.constant 0 : i32
          %scan3A_236 = arith.constant 512 : i32
          %scan3A_237 = arith.addi %scan3A_235, %scan3A_236 : i32
          %scan3A_238 = arith.constant 1 : i32
          %scan3A_239 = scf.for %scan3A_249 = %scan3A_235 to %scan3A_237 step %scan3A_238 iter_args(%scan3A_250 = %add3A_234) -> (vector<16xi32>)  : i32 {
            %mul3A_251 = arith.constant 16 : i32
            %mul3A_252 = arith.muli %scan3A_249, %mul3A_251 : i32
            %get3A = arith.index_cast %mul3A_252 : i32 to index
            %get3A_253 = tpu.vector_load %arg12[%get3A] {strides = array<i32>} : memref<8192xi32, #tpu.memory_space<vmem>>, vector<16xi32>,
            %eq3A_254 = vector.broadcast %reduce_min3A_46 : i32 to vector<16xi32>
            %eq3A_255 = arith.cmpi eq, %get3A_253, %eq3A_254 : vector<16xi32>
            %all_reduce_population_count3A = tpu.all_reduce %eq3A_255 {dim = 0 : i64, kind = #tpu.reduction_kind<sum>} : vector<16xi1> -> vector<16xi32>
            %add3A_256 = arith.addi %scan3A_250, %all_reduce_population_count3A : vector<16xi32>
            scf.yield %add3A_256 : vector<16xi32>
          }
          %scan3A_240 = arith.constant 512 : i32
          %reduce_min3A_241 = arith.constant true
          %reduce_min3A_242 = vector.broadcast %reduce_min3A_241 : i1 to vector<16xi1>
          %reduce_min3A_243 = arith.constant -2147483648 : i32
          %reduce_min3A_244 = vector.broadcast %reduce_min3A_243 : i32 to vector<16xi32>
          %reduce_min3A_245 = arith.xori %scan3A_239, %reduce_min3A_244 : vector<16xi32>
          %reduce_min3A_246 = tpu.scan <min>, %reduce_min3A_245 masked %reduce_min3A_242 : vector<16xi32>, vector<16xi1> -> vector<16xi32>
          %reduce_min3A_247 = arith.xori %reduce_min3A_246, %reduce_min3A_244 : vector<16xi32>
          %reduce_min3A_248 = vector.extract %reduce_min3A_247[15] : i32 from vector<16xi32>
          scf.yield %reduce_min3A_46, %reduce_min3A_248 : i32, i32
        } else {
          scf.yield %scan3A_16, %reduce_min3A_38 : i32, i32
        }
        %max3A = arith.constant 1 : i32
        %max3A_53 = arith.maxsi %cond3A_52#1, %max3A : i32
        %broadcast_in_dim3A_54 = arith.constant 0 : i32
        %broadcast_in_dim3A_55 = vector.broadcast %broadcast_in_dim3A_54 : i32 to vector<16xi32>
        %add3A_56 = vector.broadcast %scan3A_15 : i32 to vector<16xi32>
        %add3A_57 = arith.addi %broadcast_in_dim3A_55, %add3A_56 : vector<16xi32>
        %gather3A = tpu.vector_load_idx %arg14[%add3A_57] : memref<1024xi32, #tpu.memory_space<vmem>>[vector<16xi32>], vector<16xi32>,
        %bitcast3A = vector.bitcast %gather3A : vector<16xi32> to vector<16xi32>
        %broadcast_in_dim3A_58 = arith.constant 0 : i32
        %broadcast_in_dim3A_59 = vector.broadcast %broadcast_in_dim3A_58 : i32 to vector<16xi32>
        %add3A_60 = vector.broadcast %scan3A_15 : i32 to vector<16xi32>
        %add3A_61 = arith.addi %broadcast_in_dim3A_59, %add3A_60 : vector<16xi32>
        %gather3A_62 = tpu.vector_load_idx %arg15[%add3A_61] : memref<1024xi32, #tpu.memory_space<vmem>>[vector<16xi32>], vector<16xi32>,
        %bitcast3A_63 = vector.bitcast %gather3A_62 : vector<16xi32> to vector<16xi32>
        %jit3A = arith.constant 65536 : i32
        %eq3A_64 = arith.constant 0 : i32
        %eq3A_65 = arith.cmpi eq, %max3A_53, %eq3A_64 : i32
        %jit3A_66 = arith.constant 1 : i32
        %select_n3A = arith.select %eq3A_65, %jit3A_66, %max3A_53 : i32
        %rem3A = arith.remui %jit3A, %select_n3A : i32
        %ne3A = arith.constant 0 : i32
        %ne3A_67 = arith.cmpi ne, %rem3A, %ne3A : i32
        %lt3A_68 = arith.constant 0 : i32
        %lt3A_69 = arith.cmpi ult, %rem3A, %lt3A_68 : i32
        %lt3A_70 = arith.constant 0 : i32
        %lt3A_71 = arith.cmpi ult, %select_n3A, %lt3A_70 : i32
        %ne3A_72 = arith.xori %lt3A_69, %lt3A_71 : i1
        %and3A = arith.andi %ne3A_72, %ne3A_67 : i1
        %add3A_73 = arith.addi %rem3A, %select_n3A : i32
        %select_n3A_74 = arith.select %and3A, %add3A_73, %rem3A : i32
        %mul3A_75 = arith.muli %select_n3A_74, %select_n3A_74 : i32
        %eq3A_76 = arith.constant 0 : i32
        %eq3A_77 = arith.cmpi eq, %max3A_53, %eq3A_76 : i32
        %jit3A_78 = arith.constant 1 : i32
        %select_n3A_79 = arith.select %eq3A_77, %jit3A_78, %max3A_53 : i32
        %rem3A_80 = arith.remui %mul3A_75, %select_n3A_79 : i32
        %ne3A_81 = arith.constant 0 : i32
        %ne3A_82 = arith.cmpi ne, %rem3A_80, %ne3A_81 : i32
        %lt3A_83 = arith.constant 0 : i32
        %lt3A_84 = arith.cmpi ult, %rem3A_80, %lt3A_83 : i32
        %lt3A_85 = arith.constant 0 : i32
        %lt3A_86 = arith.cmpi ult, %select_n3A_79, %lt3A_85 : i32
        %ne3A_87 = arith.xori %lt3A_84, %lt3A_86 : i1
        %and3A_88 = arith.andi %ne3A_87, %ne3A_82 : i1
        %add3A_89 = arith.addi %rem3A_80, %select_n3A_79 : i32
        %select_n3A_90 = arith.select %and3A_88, %add3A_89, %rem3A_80 : i32
        %eq3A_91 = arith.constant 0 : i32
        %eq3A_92 = arith.cmpi eq, %max3A_53, %eq3A_91 : i32
        %jit3A_93 = arith.constant 1 : i32
        %select_n3A_94 = arith.select %eq3A_92, %jit3A_93, %max3A_53 : i32
        %rem3A_95 = vector.broadcast %select_n3A_94 : i32 to vector<16xi32>
        %rem3A_96 = arith.remui %bitcast3A, %rem3A_95 : vector<16xi32>
        %ne3A_97 = arith.constant 0 : i32
        %ne3A_98 = vector.broadcast %ne3A_97 : i32 to vector<16xi32>
        %ne3A_99 = arith.cmpi ne, %rem3A_96, %ne3A_98 : vector<16xi32>
        %lt3A_100 = arith.constant 0 : i32
        %lt3A_101 = vector.broadcast %lt3A_100 : i32 to vector<16xi32>
        %lt3A_102 = arith.cmpi ult, %rem3A_96, %lt3A_101 : vector<16xi32>
        %lt3A_103 = arith.constant 0 : i32
        %lt3A_104 = arith.cmpi ult, %select_n3A_94, %lt3A_103 : i32
        %ne3A_105 = vector.broadcast %lt3A_104 : i1 to vector<16xi1>
        %ne3A_106 = vector.broadcast %ne3A_105 : vector<16xi1> to vector<16xi1>
        %ne3A_107 = arith.xori %lt3A_102, %ne3A_106 : vector<16xi1>
        %and3A_108 = arith.andi %ne3A_107, %ne3A_99 : vector<16xi1>
        %add3A_109 = vector.broadcast %select_n3A_94 : i32 to vector<16xi32>
        %add3A_110 = arith.addi %rem3A_96, %add3A_109 : vector<16xi32>
        %select_n3A_111 = arith.select %and3A_108, %add3A_110, %rem3A_96 : vector<16xi1>, vector<16xi32>
        %mul3A_112 = vector.broadcast %select_n3A_90 : i32 to vector<16xi32>
        %mul3A_113 = arith.muli %select_n3A_111, %mul3A_112 : vector<16xi32>
        %eq3A_114 = arith.constant 0 : i32
        %eq3A_115 = arith.cmpi eq, %max3A_53, %eq3A_114 : i32
        %jit3A_116 = arith.constant 1 : i32
        %select_n3A_117 = arith.select %eq3A_115, %jit3A_116, %max3A_53 : i32
        %rem3A_118 = vector.broadcast %select_n3A_117 : i32 to vector<16xi32>
        %rem3A_119 = arith.remui %bitcast3A_63, %rem3A_118 : vector<16xi32>
        %ne3A_120 = arith.constant 0 : i32
        %ne3A_121 = vector.broadcast %ne3A_120 : i32 to vector<16xi32>
        %ne3A_122 = arith.cmpi ne, %rem3A_119, %ne3A_121 : vector<16xi32>
        %lt3A_123 = arith.constant 0 : i32
        %lt3A_124 = vector.broadcast %lt3A_123 : i32 to vector<16xi32>
        %lt3A_125 = arith.cmpi ult, %rem3A_119, %lt3A_124 : vector<16xi32>
        %lt3A_126 = arith.constant 0 : i32
        %lt3A_127 = arith.cmpi ult, %select_n3A_117, %lt3A_126 : i32
        %ne3A_128 = vector.broadcast %lt3A_127 : i1 to vector<16xi1>
        %ne3A_129 = vector.broadcast %ne3A_128 : vector<16xi1> to vector<16xi1>
        %ne3A_130 = arith.xori %lt3A_125, %ne3A_129 : vector<16xi1>
        %and3A_131 = arith.andi %ne3A_130, %ne3A_122 : vector<16xi1>
        %add3A_132 = vector.broadcast %select_n3A_117 : i32 to vector<16xi32>
        %add3A_133 = arith.addi %rem3A_119, %add3A_132 : vector<16xi32>
        %select_n3A_134 = arith.select %and3A_131, %add3A_133, %rem3A_119 : vector<16xi1>, vector<16xi32>
        %add3A_135 = arith.addi %mul3A_113, %select_n3A_134 : vector<16xi32>
        %eq3A_136 = arith.constant 0 : i32
        %eq3A_137 = arith.cmpi eq, %max3A_53, %eq3A_136 : i32
        %jit3A_138 = arith.constant 1 : i32
        %select_n3A_139 = arith.select %eq3A_137, %jit3A_138, %max3A_53 : i32
        %rem3A_140 = vector.broadcast %select_n3A_139 : i32 to vector<16xi32>
        %rem3A_141 = arith.remui %add3A_135, %rem3A_140 : vector<16xi32>
        %ne3A_142 = arith.constant 0 : i32
        %ne3A_143 = vector.broadcast %ne3A_142 : i32 to vector<16xi32>
        %ne3A_144 = arith.cmpi ne, %rem3A_141, %ne3A_143 : vector<16xi32>
        %lt3A_145 = arith.constant 0 : i32
        %lt3A_146 = vector.broadcast %lt3A_145 : i32 to vector<16xi32>
        %lt3A_147 = arith.cmpi ult, %rem3A_141, %lt3A_146 : vector<16xi32>
        %lt3A_148 = arith.constant 0 : i32
        %lt3A_149 = arith.cmpi ult, %select_n3A_139, %lt3A_148 : i32
        %ne3A_150 = vector.broadcast %lt3A_149 : i1 to vector<16xi1>
        %ne3A_151 = vector.broadcast %ne3A_150 : vector<16xi1> to vector<16xi1>
        %ne3A_152 = arith.xori %lt3A_147, %ne3A_151 : vector<16xi1>
        %and3A_153 = arith.andi %ne3A_152, %ne3A_144 : vector<16xi1>
        %add3A_154 = vector.broadcast %select_n3A_139 : i32 to vector<16xi32>
        %add3A_155 = arith.addi %rem3A_141, %add3A_154 : vector<16xi32>
        %select_n3A_156 = arith.select %and3A_153, %add3A_155, %rem3A_141 : vector<16xi1>, vector<16xi32>
        %reduce_min3A_157 = arith.constant true
        %reduce_min3A_158 = vector.broadcast %reduce_min3A_157 : i1 to vector<16xi1>
        %reduce_min3A_159 = arith.constant -2147483648 : i32
        %reduce_min3A_160 = vector.broadcast %reduce_min3A_159 : i32 to vector<16xi32>
        %reduce_min3A_161 = arith.xori %select_n3A_156, %reduce_min3A_160 : vector<16xi32>
        %reduce_min3A_162 = tpu.scan <min>, %reduce_min3A_161 masked %reduce_min3A_158 : vector<16xi32>, vector<16xi1> -> vector<16xi32>
        %reduce_min3A_163 = arith.xori %reduce_min3A_162, %reduce_min3A_160 : vector<16xi32>
        %reduce_min3A_164 = vector.extract %reduce_min3A_163[15] : i32 from vector<16xi32>
        %add3A_165 = arith.constant 1 : i32
        %add3A_166 = arith.addi %reduce_min3A_164, %add3A_165 : i32
        %scan3A_167 = arith.constant 0 : i32
        %scan3A_168 = arith.constant 1073741824 : i32
        %scan3A_169 = arith.constant 0 : i32
        %scan3A_170 = arith.constant 512 : i32
        %scan3A_171 = arith.addi %scan3A_169, %scan3A_170 : i32
        %scan3A_172 = arith.constant 1 : i32
        %scan3A_173:2 = scf.for %scan3A_230 = %scan3A_169 to %scan3A_171 step %scan3A_172 iter_args(%scan3A_231 = %scan3A_167, %scan3A_232 = %scan3A_168) -> (i32, i32)  : i32 {
          %mul3A_233 = arith.constant 16 : i32
          %mul3A_234 = arith.muli %scan3A_230, %mul3A_233 : i32
          %get3A = arith.index_cast %mul3A_234 : i32 to index
          %get3A_235 = tpu.vector_load %arg12[%get3A] {strides = array<i32>} : memref<8192xi32, #tpu.memory_space<vmem>>, vector<16xi32>,
          %eq3A_236 = vector.broadcast %cond3A_52#0 : i32 to vector<16xi32>
          %eq3A_237 = arith.cmpi eq, %get3A_235, %eq3A_236 : vector<16xi32>
          %all_reduce_population_count3A = tpu.all_reduce %eq3A_237 {dim = 0 : i64, kind = #tpu.reduction_kind<sum>} : vector<16xi1> -> vector<16xi32>
          %reduce_min3A_238 = arith.constant true
          %reduce_min3A_239 = vector.broadcast %reduce_min3A_238 : i1 to vector<16xi1>
          %reduce_min3A_240 = arith.constant -2147483648 : i32
          %reduce_min3A_241 = vector.broadcast %reduce_min3A_240 : i32 to vector<16xi32>
          %reduce_min3A_242 = arith.xori %all_reduce_population_count3A, %reduce_min3A_241 : vector<16xi32>
          %reduce_min3A_243 = tpu.scan <min>, %reduce_min3A_242 masked %reduce_min3A_239 : vector<16xi32>, vector<16xi1> -> vector<16xi32>
          %reduce_min3A_244 = arith.xori %reduce_min3A_243, %reduce_min3A_241 : vector<16xi32>
          %reduce_min3A_245 = vector.extract %reduce_min3A_244[15] : i32 from vector<16xi32>
          %convert_element_type3A_246 = arith.extui %eq3A_237 : vector<16xi1> to vector<16xi32>
          %broadcast_in_dim3A_247 = arith.constant true
          %broadcast_in_dim3A_248 = vector.broadcast %broadcast_in_dim3A_247 : i1 to vector<16xi1>
          %masked_cumsum3A = tpu.scan <sum>, %convert_element_type3A_246 masked %broadcast_in_dim3A_248 : vector<16xi32>, vector<16xi1> -> vector<16xi32>
          %sub3A = arith.subi %add3A_166, %scan3A_231 : i32
          %eq3A_249 = vector.broadcast %sub3A : i32 to vector<16xi32>
          %eq3A_250 = arith.cmpi eq, %masked_cumsum3A, %eq3A_249 : vector<16xi32>
          %and3A_251 = arith.andi %eq3A_250, %eq3A_237 : vector<16xi1>
          %all_reduce_ffs3A = tpu.all_reduce %and3A_251 {dim = 0 : i64, kind = #tpu.reduction_kind<find_first_set>} : vector<16xi1> -> vector<16xi32>
          %reduce_min3A_252 = arith.constant true
          %reduce_min3A_253 = vector.broadcast %reduce_min3A_252 : i1 to vector<16xi1>
          %reduce_min3A_254 = arith.constant -2147483648 : i32
          %reduce_min3A_255 = vector.broadcast %reduce_min3A_254 : i32 to vector<16xi32>
          %reduce_min3A_256 = arith.xori %all_reduce_ffs3A, %reduce_min3A_255 : vector<16xi32>
          %reduce_min3A_257 = tpu.scan <min>, %reduce_min3A_256 masked %reduce_min3A_253 : vector<16xi32>, vector<16xi1> -> vector<16xi32>
          %reduce_min3A_258 = arith.xori %reduce_min3A_257, %reduce_min3A_255 : vector<16xi32>
          %reduce_min3A_259 = vector.extract %reduce_min3A_258[15] : i32 from vector<16xi32>
          %lt3A_260 = arith.cmpi slt, %scan3A_231, %add3A_166 : i32
          %add3A_261 = arith.addi %scan3A_231, %reduce_min3A_245 : i32
          %ge3A = arith.cmpi sge, %add3A_261, %add3A_166 : i32
          %and3A_262 = arith.andi %lt3A_260, %ge3A : i1
          %mul3A_263 = arith.constant 16 : i32
          %mul3A_264 = arith.muli %scan3A_230, %mul3A_263 : i32
          %add3A_265 = arith.addi %mul3A_264, %reduce_min3A_259 : i32
          %select_n3A_266 = arith.select %and3A_262, %add3A_265, %scan3A_232 : i32
          %add3A_267 = arith.addi %scan3A_231, %reduce_min3A_245 : i32
          scf.yield %add3A_267, %select_n3A_266 : i32, i32
        }
        %scan3A_174 = arith.constant 512 : i32
        %broadcast_in_dim3A_175 = arith.constant 0 : i32
        %broadcast_in_dim3A_176 = vector.broadcast %broadcast_in_dim3A_175 : i32 to vector<16xi32>
        %add3A_177 = vector.broadcast %scan3A_173#1 : i32 to vector<16xi32>
        %add3A_178 = arith.addi %broadcast_in_dim3A_176, %add3A_177 : vector<16xi32>
        %gather3A_179 = tpu.vector_load_idx %arg9[%add3A_178] : memref<8192xf32, #tpu.memory_space<vmem>>[vector<16xi32>], vector<16xf32>,
        %gather3A_180 = tpu.vector_load_idx %arg10[%add3A_178] : memref<8192xf32, #tpu.memory_space<vmem>>[vector<16xi32>], vector<16xf32>,
        %gather3A_181 = tpu.vector_load_idx %arg11[%add3A_178] : memref<8192xf32, #tpu.memory_space<vmem>>[vector<16xi32>], vector<16xf32>,
        %broadcast_in_dim3A_182 = arith.constant 0.000000e+00 : f32
        %broadcast_in_dim3A_183 = vector.broadcast %broadcast_in_dim3A_182 : f32 to vector<16xf32>
        %add3A_184 = arith.constant 0x7F800000 : f32
        %add3A_185 = vector.broadcast %add3A_184 : f32 to vector<16xf32>
        %add3A_186 = arith.addf %broadcast_in_dim3A_183, %add3A_185 : vector<16xf32>
        %broadcast_in_dim3A_187 = arith.constant 0 : i32
        %broadcast_in_dim3A_188 = vector.broadcast %broadcast_in_dim3A_187 : i32 to vector<16xi32>
        %add3A_189 = arith.constant 1073741824 : i32
        %add3A_190 = vector.broadcast %add3A_189 : i32 to vector<16xi32>
        %add3A_191 = arith.addi %broadcast_in_dim3A_188, %add3A_190 : vector<16xi32>
        %scan3A_192 = arith.constant 0 : i32
        %scan3A_193 = arith.constant 512 : i32
        %scan3A_194 = arith.addi %scan3A_192, %scan3A_193 : i32
        %scan3A_195 = arith.constant 1 : i32
        %scan3A_196:2 = scf.for %scan3A_230 = %scan3A_192 to %scan3A_194 step %scan3A_195 iter_args(%scan3A_231 = %add3A_186, %scan3A_232 = %add3A_191) -> (vector<16xf32>, vector<16xi32>)  : i32 {
          %mul3A_233 = arith.constant 16 : i32
          %mul3A_234 = arith.muli %scan3A_230, %mul3A_233 : i32
          %get3A = arith.index_cast %mul3A_234 : i32 to index
          %get3A_235 = tpu.vector_load %arg9[%get3A] {strides = array<i32>} : memref<8192xf32, #tpu.memory_space<vmem>>, vector<16xf32>,
          %sub3A = arith.subf %get3A_235, %gather3A_179 : vector<16xf32>
          %mul3A_236 = arith.constant 16 : i32
          %mul3A_237 = arith.muli %scan3A_230, %mul3A_236 : i32
          %get3A_238 = arith.index_cast %mul3A_237 : i32 to index
          %get3A_239 = tpu.vector_load %arg10[%get3A_238] {strides = array<i32>} : memref<8192xf32, #tpu.memory_space<vmem>>, vector<16xf32>,
          %sub3A_240 = arith.subf %get3A_239, %gather3A_180 : vector<16xf32>
          %mul3A_241 = arith.constant 16 : i32
          %mul3A_242 = arith.muli %scan3A_230, %mul3A_241 : i32
          %get3A_243 = arith.index_cast %mul3A_242 : i32 to index
          %get3A_244 = tpu.vector_load %arg11[%get3A_243] {strides = array<i32>} : memref<8192xf32, #tpu.memory_space<vmem>>, vector<16xf32>,
          %sub3A_245 = arith.subf %get3A_244, %gather3A_181 : vector<16xf32>
          %mul3A_246 = arith.mulf %sub3A, %sub3A : vector<16xf32>
          %bitcast3A_247 = vector.bitcast %mul3A_246 : vector<16xf32> to vector<16xi32>
          %bitcast3A_248 = vector.bitcast %bitcast3A_247 : vector<16xi32> to vector<16xf32>
          %mul3A_249 = arith.mulf %sub3A_240, %sub3A_240 : vector<16xf32>
          %bitcast3A_250 = vector.bitcast %mul3A_249 : vector<16xf32> to vector<16xi32>
          %bitcast3A_251 = vector.bitcast %bitcast3A_250 : vector<16xi32> to vector<16xf32>
          %mul3A_252 = arith.mulf %sub3A_245, %sub3A_245 : vector<16xf32>
          %bitcast3A_253 = vector.bitcast %mul3A_252 : vector<16xf32> to vector<16xi32>
          %bitcast3A_254 = vector.bitcast %bitcast3A_253 : vector<16xi32> to vector<16xf32>
          %add3A_255 = arith.addf %bitcast3A_248, %bitcast3A_251 : vector<16xf32>
          %bitcast3A_256 = vector.bitcast %add3A_255 : vector<16xf32> to vector<16xi32>
          %bitcast3A_257 = vector.bitcast %bitcast3A_256 : vector<16xi32> to vector<16xf32>
          %add3A_258 = arith.addf %bitcast3A_257, %bitcast3A_254 : vector<16xf32>
          %mul3A_259 = arith.constant 16 : i32
          %mul3A_260 = arith.muli %scan3A_230, %mul3A_259 : i32
          %swap3A = arith.index_cast %mul3A_260 : i32 to index
          %swap3A_261 = tpu.vector_load %arg13[%swap3A] {strides = array<i32>} : memref<8192xf32, #tpu.memory_space<vmem>>, vector<16xf32>,
          tpu.vector_store %arg13[%swap3A], %add3A_258 {strides = array<i32>} : memref<8192xf32, #tpu.memory_space<vmem>>, vector<16xf32>,
          %mul3A_262 = arith.constant 16 : i32
          %mul3A_263 = arith.muli %scan3A_230, %mul3A_262 : i32
          %add3A_264 = vector.broadcast %mul3A_263 : i32 to vector<16xi32>
          %add3A_265 = arith.addi %iota3A, %add3A_264 : vector<16xi32>
          %lt3A_266 = arith.cmpf olt, %add3A_258, %scan3A_231 : vector<16xf32>
          %select_n3A_267 = arith.select %lt3A_266, %add3A_258, %scan3A_231 : vector<16xi1>, vector<16xf32>
          %select_n3A_268 = arith.select %lt3A_266, %add3A_265, %scan3A_232 : vector<16xi1>, vector<16xi32>
          scf.yield %select_n3A_267, %select_n3A_268 : vector<16xf32>, vector<16xi32>
        }
        %scan3A_197 = arith.constant 512 : i32
        %scan3A_198 = arith.constant 0 : i32
        %scan3A_199 = arith.constant 32 : i32
        %scan3A_200 = arith.addi %scan3A_198, %scan3A_199 : i32
        %scan3A_201 = arith.constant 1 : i32
        %scan3A_202:2 = scf.for %scan3A_230 = %scan3A_198 to %scan3A_200 step %scan3A_201 iter_args(%scan3A_231 = %scan3A_196#0, %scan3A_232 = %scan3A_196#1) -> (vector<16xf32>, vector<16xi32>)  : i32 {
          %reduce_min3A_233 = arith.constant true
          %reduce_min3A_234 = vector.broadcast %reduce_min3A_233 : i1 to vector<16xi1>
          %reduce_min3A_235 = tpu.scan <min>, %scan3A_231 masked %reduce_min3A_234 : vector<16xf32>, vector<16xi1> -> vector<16xf32>
          %reduce_min3A_236 = vector.extract %reduce_min3A_235[15] : f32 from vector<16xf32>
          %eq3A_237 = vector.broadcast %reduce_min3A_236 : f32 to vector<16xf32>
          %eq3A_238 = arith.cmpf oeq, %scan3A_231, %eq3A_237 : vector<16xf32>
          %jit3A_239 = arith.constant 1073741824 : i32
          %broadcast_in_dim3A_240 = vector.broadcast %jit3A_239 : i32 to vector<16xi32>
          %select_n3A_241 = arith.select %eq3A_238, %scan3A_232, %broadcast_in_dim3A_240 : vector<16xi1>, vector<16xi32>
          %reduce_min3A_242 = arith.constant true
          %reduce_min3A_243 = vector.broadcast %reduce_min3A_242 : i1 to vector<16xi1>
          %reduce_min3A_244 = arith.constant -2147483648 : i32
          %reduce_min3A_245 = vector.broadcast %reduce_min3A_244 : i32 to vector<16xi32>
          %reduce_min3A_246 = arith.xori %select_n3A_241, %reduce_min3A_245 : vector<16xi32>
          %reduce_min3A_247 = tpu.scan <min>, %reduce_min3A_246 masked %reduce_min3A_243 : vector<16xi32>, vector<16xi1> -> vector<16xi32>
          %reduce_min3A_248 = arith.xori %reduce_min3A_247, %reduce_min3A_245 : vector<16xi32>
          %reduce_min3A_249 = vector.extract %reduce_min3A_248[15] : i32 from vector<16xi32>
          %broadcast_in_dim3A_250 = arith.constant 0.000000e+00 : f32
          %broadcast_in_dim3A_251 = vector.broadcast %broadcast_in_dim3A_250 : f32 to vector<16xf32>
          %add3A_252 = vector.broadcast %reduce_min3A_236 : f32 to vector<16xf32>
          %add3A_253 = arith.addf %broadcast_in_dim3A_251, %add3A_252 : vector<16xf32>
          %broadcast_in_dim3A_254 = arith.constant 0 : i32
          %broadcast_in_dim3A_255 = vector.broadcast %broadcast_in_dim3A_254 : i32 to vector<16xi32>
          %add3A_256 = vector.broadcast %reduce_min3A_249 : i32 to vector<16xi32>
          %add3A_257 = arith.addi %broadcast_in_dim3A_255, %add3A_256 : vector<16xi32>
          %mul3A_258 = arith.constant 32 : i32
          %mul3A_259 = arith.muli %scan3A_15, %mul3A_258 : i32
          %add3A_260 = arith.addi %mul3A_259, %scan3A_230 : i32
          %broadcast_in_dim3A_261 = arith.constant 0 : i32
          %broadcast_in_dim3A_262 = vector.broadcast %broadcast_in_dim3A_261 : i32 to vector<16xi32>
          %add3A_263 = vector.broadcast %add3A_260 : i32 to vector<16xi32>
          %add3A_264 = arith.addi %broadcast_in_dim3A_262, %add3A_263 : vector<16xi32>
          %eq3A_265 = arith.constant 0 : i32
          %eq3A_266 = vector.broadcast %eq3A_265 : i32 to vector<16xi32>
          %eq3A_267 = arith.cmpi eq, %iota3A, %eq3A_266 : vector<16xi32>
          tpu.vector_store_idx %arg16[%add3A_264], %add3A_257 masked %eq3A_267 : memref<32768xi32, #tpu.memory_space<vmem>>[vector<16xi32>], vector<16xi32>, vector<16xi1>
          %broadcast_in_dim3A_268 = arith.constant 0 : i32
          %broadcast_in_dim3A_269 = vector.broadcast %broadcast_in_dim3A_268 : i32 to vector<16xi32>
          %add3A_270 = arith.constant 1 : i32
          %add3A_271 = vector.broadcast %add3A_270 : i32 to vector<16xi32>
          %add3A_272 = arith.addi %broadcast_in_dim3A_269, %add3A_271 : vector<16xi32>
          %eq3A_273 = arith.constant 0 : i32
          %eq3A_274 = vector.broadcast %eq3A_273 : i32 to vector<16xi32>
          %eq3A_275 = arith.cmpi eq, %iota3A, %eq3A_274 : vector<16xi32>
          tpu.vector_store_idx %arg12[%add3A_257], %add3A_272 masked %eq3A_275 {add = true} : memref<8192xi32, #tpu.memory_space<vmem>>[vector<16xi32>], vector<16xi32>, vector<16xi1>
          %and3A_276 = arith.constant 15 : i32
          %and3A_277 = arith.andi %reduce_min3A_249, %and3A_276 : i32
          %broadcast_in_dim3A_278 = arith.constant 0.000000e+00 : f32
          %broadcast_in_dim3A_279 = vector.broadcast %broadcast_in_dim3A_278 : f32 to vector<16xf32>
          %add3A_280 = arith.constant 0x7F800000 : f32
          %add3A_281 = vector.broadcast %add3A_280 : f32 to vector<16xf32>
          %add3A_282 = arith.addf %broadcast_in_dim3A_279, %add3A_281 : vector<16xf32>
          %broadcast_in_dim3A_283 = arith.constant 0 : i32
          %broadcast_in_dim3A_284 = vector.broadcast %broadcast_in_dim3A_283 : i32 to vector<16xi32>
          %add3A_285 = arith.constant 1073741824 : i32
          %add3A_286 = vector.broadcast %add3A_285 : i32 to vector<16xi32>
          %add3A_287 = arith.addi %broadcast_in_dim3A_284, %add3A_286 : vector<16xi32>
          %scan3A_288 = arith.constant 0 : i32
          %scan3A_289 = arith.constant 32 : i32
          %scan3A_290 = arith.addi %scan3A_288, %scan3A_289 : i32
          %scan3A_291 = arith.constant 1 : i32
          %scan3A_292:2 = scf.for %scan3A_323 = %scan3A_288 to %scan3A_290 step %scan3A_291 iter_args(%scan3A_324 = %add3A_282, %scan3A_325 = %add3A_287) -> (vector<16xf32>, vector<16xi32>)  : i32 {
            %mul3A_326 = arith.constant 256 : i32
            %mul3A_327 = arith.muli %scan3A_323, %mul3A_326 : i32
            %mul3A_328 = arith.constant 16 : i32
            %mul3A_329 = vector.broadcast %mul3A_328 : i32 to vector<16xi32>
            %mul3A_330 = arith.muli %iota3A, %mul3A_329 : vector<16xi32>
            %add3A_331 = vector.broadcast %mul3A_327 : i32 to vector<16xi32>
            %add3A_332 = arith.addi %add3A_331, %mul3A_330 : vector<16xi32>
            %add3A_333 = vector.broadcast %and3A_277 : i32 to vector<16xi32>
            %add3A_334 = arith.addi %add3A_332, %add3A_333 : vector<16xi32>
            %gather3A_335 = tpu.vector_load_idx %arg13[%add3A_334] : memref<8192xf32, #tpu.memory_space<vmem>>[vector<16xi32>], vector<16xf32>,
            %gt3A = arith.cmpf ogt, %gather3A_335, %add3A_253 : vector<16xf32>
            %eq3A_336 = arith.cmpf oeq, %gather3A_335, %add3A_253 : vector<16xf32>
            %gt3A_337 = arith.cmpi sgt, %add3A_334, %add3A_257 : vector<16xi32>
            %and3A_338 = arith.andi %eq3A_336, %gt3A_337 : vector<16xi1>
            %or3A = arith.ori %gt3A, %and3A_338 : vector<16xi1>
            %lt3A_339 = arith.cmpf olt, %gather3A_335, %scan3A_324 : vector<16xf32>
            %eq3A_340 = arith.cmpf oeq, %gather3A_335, %scan3A_324 : vector<16xf32>
            %lt3A_341 = arith.cmpi slt, %add3A_334, %scan3A_325 : vector<16xi32>
            %and3A_342 = arith.andi %eq3A_340, %lt3A_341 : vector<16xi1>
            %or3A_343 = arith.ori %lt3A_339, %and3A_342 : vector<16xi1>
            %and3A_344 = arith.andi %or3A, %or3A_343 : vector<16xi1>
            %select_n3A_345 = arith.select %and3A_344, %gather3A_335, %scan3A_324 : vector<16xi1>, vector<16xf32>
            %select_n3A_346 = arith.select %and3A_344, %add3A_334, %scan3A_325 : vector<16xi1>, vector<16xi32>
            scf.yield %select_n3A_345, %select_n3A_346 : vector<16xf32>, vector<16xi32>
          }
          %scan3A_293 = arith.constant 32 : i32
          %reduce_min3A_294 = arith.constant true
          %reduce_min3A_295 = vector.broadcast %reduce_min3A_294 : i1 to vector<16xi1>
          %reduce_min3A_296 = tpu.scan <min>, %scan3A_292#0 masked %reduce_min3A_295 : vector<16xf32>, vector<16xi1> -> vector<16xf32>
          %reduce_min3A_297 = vector.extract %reduce_min3A_296[15] : f32 from vector<16xf32>
          %eq3A_298 = vector.broadcast %reduce_min3A_297 : f32 to vector<16xf32>
          %eq3A_299 = arith.cmpf oeq, %scan3A_292#0, %eq3A_298 : vector<16xf32>
          %jit3A_300 = arith.constant 1073741824 : i32
          %broadcast_in_dim3A_301 = vector.broadcast %jit3A_300 : i32 to vector<16xi32>
          %select_n3A_302 = arith.select %eq3A_299, %scan3A_292#1, %broadcast_in_dim3A_301 : vector<16xi1>, vector<16xi32>
          %reduce_min3A_303 = arith.constant true
          %reduce_min3A_304 = vector.broadcast %reduce_min3A_303 : i1 to vector<16xi1>
          %reduce_min3A_305 = arith.constant -2147483648 : i32
          %reduce_min3A_306 = vector.broadcast %reduce_min3A_305 : i32 to vector<16xi32>
          %reduce_min3A_307 = arith.xori %select_n3A_302, %reduce_min3A_306 : vector<16xi32>
          %reduce_min3A_308 = tpu.scan <min>, %reduce_min3A_307 masked %reduce_min3A_304 : vector<16xi32>, vector<16xi1> -> vector<16xi32>
          %reduce_min3A_309 = arith.xori %reduce_min3A_308, %reduce_min3A_306 : vector<16xi32>
          %reduce_min3A_310 = vector.extract %reduce_min3A_309[15] : i32 from vector<16xi32>
          %eq3A_311 = vector.broadcast %and3A_277 : i32 to vector<16xi32>
          %eq3A_312 = arith.cmpi eq, %iota3A, %eq3A_311 : vector<16xi32>
          %broadcast_in_dim3A_313 = arith.constant 0.000000e+00 : f32
          %broadcast_in_dim3A_314 = vector.broadcast %broadcast_in_dim3A_313 : f32 to vector<16xf32>
          %add3A_315 = vector.broadcast %reduce_min3A_297 : f32 to vector<16xf32>
          %add3A_316 = arith.addf %broadcast_in_dim3A_314, %add3A_315 : vector<16xf32>
          %select_n3A_317 = arith.select %eq3A_312, %add3A_316, %scan3A_231 : vector<16xi1>, vector<16xf32>
          %broadcast_in_dim3A_318 = arith.constant 0 : i32
          %broadcast_in_dim3A_319 = vector.broadcast %broadcast_in_dim3A_318 : i32 to vector<16xi32>
          %add3A_320 = vector.broadcast %reduce_min3A_310 : i32 to vector<16xi32>
          %add3A_321 = arith.addi %broadcast_in_dim3A_319, %add3A_320 : vector<16xi32>
          %select_n3A_322 = arith.select %eq3A_312, %add3A_321, %scan3A_232 : vector<16xi1>, vector<16xi32>
          scf.yield %select_n3A_317, %select_n3A_322 : vector<16xf32>, vector<16xi32>
        }
        %scan3A_203 = arith.constant 32 : i32
        %broadcast_in_dim3A_204 = arith.constant 0 : i32
        %broadcast_in_dim3A_205 = vector.broadcast %broadcast_in_dim3A_204 : i32 to vector<16xi32>
        %add3A_206 = arith.constant 100 : i32
        %add3A_207 = vector.broadcast %add3A_206 : i32 to vector<16xi32>
        %add3A_208 = arith.addi %broadcast_in_dim3A_205, %add3A_207 : vector<16xi32>
        %eq3A_209 = arith.constant 0 : i32
        %eq3A_210 = vector.broadcast %eq3A_209 : i32 to vector<16xi32>
        %eq3A_211 = arith.cmpi eq, %iota3A, %eq3A_210 : vector<16xi32>
        tpu.vector_store_idx %arg12[%add3A_178], %add3A_208 masked %eq3A_211 {add = true} : memref<8192xi32, #tpu.memory_space<vmem>>[vector<16xi32>], vector<16xi32>, vector<16xi1>
        %eq3A_212 = arith.constant 0 : i32
        %eq3A_213 = vector.broadcast %eq3A_212 : i32 to vector<16xi32>
        %eq3A_214 = arith.cmpi eq, %iota3A, %eq3A_213 : vector<16xi32>
        %eq3A_215 = arith.constant 1 : i32
        %eq3A_216 = vector.broadcast %eq3A_215 : i32 to vector<16xi32>
        %eq3A_217 = arith.cmpi eq, %iota3A, %eq3A_216 : vector<16xi32>
        %select_n3A_218 = arith.select %eq3A_217, %gather3A_180, %gather3A_181 : vector<16xi1>, vector<16xf32>
        %select_n3A_219 = arith.select %eq3A_214, %gather3A_179, %select_n3A_218 : vector<16xi1>, vector<16xf32>
        %mul3A_220 = arith.constant 3 : i32
        %mul3A_221 = arith.muli %mul3A_220, %scan3A_15 : i32
        %broadcast_in_dim3A_222 = arith.constant 0 : i32
        %broadcast_in_dim3A_223 = vector.broadcast %broadcast_in_dim3A_222 : i32 to vector<16xi32>
        %add3A_224 = vector.broadcast %mul3A_221 : i32 to vector<16xi32>
        %add3A_225 = arith.addi %broadcast_in_dim3A_223, %add3A_224 : vector<16xi32>
        %add3A_226 = arith.addi %add3A_225, %iota3A : vector<16xi32>
        %lt3A_227 = arith.constant 3 : i32
        %lt3A_228 = vector.broadcast %lt3A_227 : i32 to vector<16xi32>
        %lt3A_229 = arith.cmpi slt, %iota3A, %lt3A_228 : vector<16xi32>
        tpu.vector_store_idx %arg17[%add3A_226], %select_n3A_219 masked %lt3A_229 : memref<3072xf32, #tpu.memory_space<vmem>>[vector<16xi32>], vector<16xf32>, vector<16xi1>
        scf.yield %cond3A_52#0 : i32
      }
      %scan3A_14 = arith.constant 1024 : i32
      "tpu.region"() ({
        %run_scoped3A = tpu.sem_alloc : memref<!tpu.dma_semaphore, #tpu.memory_space<semaphore_mem>>
        %dma_start3A = arith.constant 0 : i32
        %dma_start3A_15 = tpu.memref_slice %arg7[%add3A, %dma_start3A] : memref<16x32768xi32, #tpu.memory_space<hbm>> -> memref<1x32768xi32, #tpu.memory_space<hbm>>
        %dma_start3A_16 = tpu.memref_squeeze %dma_start3A_15 : memref<1x32768xi32, #tpu.memory_space<hbm>> -> memref<32768xi32, #tpu.memory_space<hbm>>
        %dma_start3A_17 = arith.constant 0 : i32
        %dma_start3A_18 = tpu.memref_slice %arg7[%add3A, %dma_start3A_17] : memref<16x32768xi32, #tpu.memory_space<hbm>> -> memref<1x32768xi32, #tpu.memory_space<hbm>>
        %dma_start3A_19 = tpu.memref_squeeze %dma_start3A_18 : memref<1x32768xi32, #tpu.memory_space<hbm>> -> memref<32768xi32, #tpu.memory_space<hbm>>
        tpu.enqueue_dma source(%arg16 : memref<32768xi32, #tpu.memory_space<vmem>>) target(%dma_start3A_19 : memref<32768xi32, #tpu.memory_space<hbm>>) target_semaphore(%run_scoped3A : memref<!tpu.dma_semaphore, #tpu.memory_space<semaphore_mem>>)
        %dma_wait3A = arith.constant 0 : i32
        %dma_wait3A_20 = tpu.memref_slice %arg7[%add3A, %dma_wait3A] : memref<16x32768xi32, #tpu.memory_space<hbm>> -> memref<1x32768xi32, #tpu.memory_space<hbm>>
        %dma_wait3A_21 = tpu.memref_squeeze %dma_wait3A_20 : memref<1x32768xi32, #tpu.memory_space<hbm>> -> memref<32768xi32, #tpu.memory_space<hbm>>
        %dma_wait3A_22 = arith.constant 0 : i32
        %dma_wait3A_23 = tpu.memref_slice %arg7[%add3A, %dma_wait3A_22] : memref<16x32768xi32, #tpu.memory_space<hbm>> -> memref<1x32768xi32, #tpu.memory_space<hbm>>
        %dma_wait3A_24 = tpu.memref_squeeze %dma_wait3A_23 : memref<1x32768xi32, #tpu.memory_space<hbm>> -> memref<32768xi32, #tpu.memory_space<hbm>>
        tpu.wait_dma2 semaphore(%run_scoped3A : memref<!tpu.dma_semaphore, #tpu.memory_space<semaphore_mem>>) src(%arg16 : memref<32768xi32, #tpu.memory_space<vmem>>) dst(%dma_wait3A_24 : memref<32768xi32, #tpu.memory_space<hbm>>)
        tpu.yield
      }) : () -> ()
      "tpu.region"() ({
        %run_scoped3A = tpu.sem_alloc : memref<!tpu.dma_semaphore, #tpu.memory_space<semaphore_mem>>
        %dma_start3A = arith.constant 0 : i32
        %dma_start3A_15 = tpu.memref_slice %arg8[%add3A, %dma_start3A] : memref<16x3072xf32, #tpu.memory_space<hbm>> -> memref<1x3072xf32, #tpu.memory_space<hbm>>
        %dma_start3A_16 = tpu.memref_squeeze %dma_start3A_15 : memref<1x3072xf32, #tpu.memory_space<hbm>> -> memref<3072xf32, #tpu.memory_space<hbm>>
        %dma_start3A_17 = arith.constant 0 : i32
        %dma_start3A_18 = tpu.memref_slice %arg8[%add3A, %dma_start3A_17] : memref<16x3072xf32, #tpu.memory_space<hbm>> -> memref<1x3072xf32, #tpu.memory_space<hbm>>
        %dma_start3A_19 = tpu.memref_squeeze %dma_start3A_18 : memref<1x3072xf32, #tpu.memory_space<hbm>> -> memref<3072xf32, #tpu.memory_space<hbm>>
        tpu.enqueue_dma source(%arg17 : memref<3072xf32, #tpu.memory_space<vmem>>) target(%dma_start3A_19 : memref<3072xf32, #tpu.memory_space<hbm>>) target_semaphore(%run_scoped3A : memref<!tpu.dma_semaphore, #tpu.memory_space<semaphore_mem>>)
        %dma_wait3A = arith.constant 0 : i32
        %dma_wait3A_20 = tpu.memref_slice %arg8[%add3A, %dma_wait3A] : memref<16x3072xf32, #tpu.memory_space<hbm>> -> memref<1x3072xf32, #tpu.memory_space<hbm>>
        %dma_wait3A_21 = tpu.memref_squeeze %dma_wait3A_20 : memref<1x3072xf32, #tpu.memory_space<hbm>> -> memref<3072xf32, #tpu.memory_space<hbm>>
        %dma_wait3A_22 = arith.constant 0 : i32
        %dma_wait3A_23 = tpu.memref_slice %arg8[%add3A, %dma_wait3A_22] : memref<16x3072xf32, #tpu.memory_space<hbm>> -> memref<1x3072xf32, #tpu.memory_space<hbm>>
        %dma_wait3A_24 = tpu.memref_squeeze %dma_wait3A_23 : memref<1x3072xf32, #tpu.memory_space<hbm>> -> memref<3072xf32, #tpu.memory_space<hbm>>
        tpu.wait_dma2 semaphore(%run_scoped3A : memref<!tpu.dma_semaphore, #tpu.memory_space<semaphore_mem>>) src(%arg17 : memref<3072xf32, #tpu.memory_space<vmem>>) dst(%dma_wait3A_24 : memref<3072xf32, #tpu.memory_space<hbm>>)
        tpu.yield
      }) : () -> ()
    } else {
    }
    return
  }
}

</mosaic_0001>

<sc_bundles>
// kernel: _run_sc.3.cloned.1.call-start
scs
__scs_entry_jumppad:
0x0: {  	(pc) =	sbr.rel $0x88, $3  }
0x1: {  	(tag) =	ssettag $0x0;
	lr =	simm.s32 $0x1  }
0x2: {  	[smem:$0x3FA0] =	sst lr;
	_ =	strace $0xD0000000  }
0x3: {  	_ = 	snop  }
0x4: {  	_ = 	snop  }
0x5: {  	_ = 	snop  }
0x6: {  	_ = 	snop  }
0x7: {  	_ = 	snop  }
__scs_overlays_trampoline_lowered:
0x8: {  	[smem:$0x3FAF] =	sst s0  }
0x9: {  	[smem:$0x3FB0] =	sst s1  }
0xa: {  	[smem:$0x3FB1] =	sst s2  }
0xb: {  	[smem:$0x3FB2] =	sst s3  }
0xc: {  	[smem:$0x3FB3] =	sst s4  }
0xd: {  	[smem:$0x3FB4] =	sst s5  }
0xe: {  	[smem:$0x3FB5] =	sst s6  }
0xf: {  	[smem:$0x3FB6] =	sst s7  }
0x10: {  	[smem:$0x3FB7] =	sst s8  }
0x11: {  	[smem:$0x3FB8] =	sst s9;
	s0 =	simm.s32 @!p0 $0x0  }
0x12: {  	s1 =	sld [smem:$0x3F9E];
	s0 =	simm.s32 @p0 $0x1  }
0x13: {  	[smem:$0x3FB9] =	sst s0;
	s0 =	simm.s32 @!p1 $0x0  }
0x14: {  	s2 =	sld [smem:$0x3F9D];
	s0 =	simm.s32 @p1 $0x1  }
0x15: {  	[smem:$0x3FBA] =	sst s0;
	s0 =	simm.s32 @!p2 $0x0  }
0x16: {  	s3 =	sld [smem:$0x3FDB];
	s0 =	simm.s32 @p2 $0x1  }
0x17: {  	s4 =	simm.s32 $0x1BF5;
	[smem:$0x3FBC] =	sst s0  }
0x18: {  	s0 =	sld [smem:$0x3F9F];
	_ =	swait.ge [sflag:s4], $0x0  }
0x19: {  	s7 =	sld [smem:$0x3FA0]  }
0x1a: {  	s8 =	sadd.s32 $0xFFFFE003, lr  }
0x1b: {  	s9 =	sadd.s32 $0xFFFFFEF7, lr;
	s5 =	simm.s32 $0xFFFFFFFF;
	p2 =	slt.u32 s8, $0xFFFFF086  }
0x1c: {  	p1 =	slt.u32 s9, $0xF7A;
	s5 =	simm.s32 @!p2 $0x0  }
0x1d: {  	s5 =	simm.s32 @p1 $0x1;
	p0 =	seq.s32 s7, s2  }
0x1e: {  	s7 =	smul.u32 @!p0 $0xF7A, s2;
	p2 =	seq.s32 @!p0 s5, $0x0  }
0x1f: {  	s9 =	smul.u32 $0xF7A, s1;
	s8 =	simm.s32 @!p0 $0x1BF5;
	p2 =	por !p2, p0  }
0x20: {  	[sflag:s8] =	ssyncset.s32 @!p0 $0xFFFFF086;
	s6 =	sadd.s32 @!p0 s3, s7;
	s7 =	simm.s32 @!p0 $0x108  }
0x21: {  	s3 =	sadd.s32 s3, s9;
	s6 =	sadd.s32 @!p0 $0x88, s6;
	s7 =	simm.s32 @p2 $0x1082  }
0x22: {  	[simem:s7], [sflag:s8] =	dma.local @!p0 [hbm:s6], $0xF7A  }
0x23: {  	s9 =	sor.u32 $0xD0000000, s2;
	s6 =	simm.s32 $0x108;
	_ =	swait.ge @!p0 [sflag:s8], $0x0  }
0x24: {  	s3 =	sadd.s32 $0x88, s3;
	s6 =	simm.s32 @!p1 $0x1082;
	[sflag:s4] =	ssyncset.s32 $0xFFFFF086  }
0x25: {  	[simem:s6], [sflag:s4] =	dma.local [hbm:s3], $0xF7A  }
0x26: {  	[smem:$0x3FA0] =	sst s1;
	(tag) =	ssettag s2;
	_ =	strace s9  }
0x27: {  	s1 =	sld [smem:$0x3FB0]  }
0x28: {  	s2 =	sld [smem:$0x3FB1]  }
0x29: {  	s4 =	sld [smem:$0x3FB3]  }
0x2a: {  	p0 =	seq.s32 s5, $0x0;
	s5 =	sld [smem:$0x3FB4]  }
0x2b: {  	s6 =	sld [smem:$0x3FB5]  }
0x2c: {  	s7 =	sld [smem:$0x3FB6]  }
0x2d: {  	s3 =	simm.s32 $0x108;
	s8 =	sld [smem:$0x3FB7]  }
0x2e: {  	s3 =	simm.s32 @!p0 $0x1082;
	s9 =	sld [smem:$0x3FB8]  }
0x2f: {  	lr =	sadd.s32 s0, s3;
	s0 =	sld [smem:$0x3FAF]  }
0x30: {  	s3 =	sld [smem:$0x3FB2]  }
0x31: {  	[smem:$0x3FBB] =	sst s10  }
0x32: {  	s10 =	sld [smem:$0x3FB9];
	_ =	sdelay $0x3  }
0x33: {  	p0 =	seq.s32 s10, $0x1;
	s10 =	sld [smem:$0x3FBB];
	_ =	sdelay $0x3  }
0x34: {  	[smem:$0x3FBB] =	sst s10  }
0x35: {  	s10 =	sld [smem:$0x3FBA];
	_ =	sdelay $0x3  }
0x36: {  	p1 =	seq.s32 s10, $0x1;
	s10 =	sld [smem:$0x3FBB];
	_ =	sdelay $0x3  }
0x37: {  	[smem:$0x3FBB] =	sst s10  }
0x38: {  	s10 =	sld [smem:$0x3FBC]  }
0x39: {  	_ = 	snop;
	(pc) =	sbr.ind lr, $3  }
0x3a: {  	_ = 	snop  }
0x3b: {  	_ = 	snop  }
0x3c: {  	p2 =	seq.s32 s10, $0x1;
	s10 =	sld [smem:$0x3FBB]  }
0x3d: {  	_ =	shalt  }
0x3e: {  	_ =	shalt  }
0x3f: {  	_ =	shalt  }
0x40: {  	_ =	shalt  }
0x41: {  	_ =	shalt  }
0x42: {  	_ =	shalt  }
0x43: {  	_ =	shalt  }
0x44: {  	_ =	shalt  }
0x45: {  	_ =	shalt  }
0x46: {  	_ =	shalt  }
0x47: {  	_ =	shalt  }
0x48: {  	_ =	shalt  }
0x49: {  	_ =	shalt  }
0x4a: {  	_ =	shalt  }
0x4b: {  	_ =	shalt  }
0x4c: {  	_ =	shalt  }
0x4d: {  	_ =	shalt  }
0x4e: {  	_ =	shalt  }
0x4f: {  	_ =	shalt  }
0x50: {  	_ =	shalt  }
0x51: {  	_ =	shalt  }
0x52: {  	_ =	shalt  }
0x53: {  	_ =	shalt  }
0x54: {  	_ =	shalt  }
0x55: {  	_ =	shalt  }
0x56: {  	_ =	shalt  }
0x57: {  	_ =	shalt  }
0x58: {  	_ =	shalt  }
0x59: {  	_ =	shalt  }
0x5a: {  	_ =	shalt  }
0x5b: {  	_ =	shalt  }
0x5c: {  	_ =	shalt  }
0x5d: {  	_ =	shalt  }
0x5e: {  	_ =	shalt  }
0x5f: {  	_ =	shalt  }
0x60: {  	_ =	shalt  }
0x61: {  	_ =	shalt  }
0x62: {  	_ =	shalt  }
0x63: {  	_ =	shalt  }
0x64: {  	_ =	shalt  }
0x65: {  	_ =	shalt  }
0x66: {  	_ =	shalt  }
0x67: {  	_ =	shalt  }
0x68: {  	_ =	shalt  }
0x69: {  	_ =	shalt  }
0x6a: {  	_ =	shalt  }
0x6b: {  	_ =	shalt  }
0x6c: {  	_ =	shalt  }
0x6d: {  	_ =	shalt  }
0x6e: {  	_ =	shalt  }
0x6f: {  	_ =	shalt  }
0x70: {  	_ =	shalt  }
0x71: {  	_ =	shalt  }
0x72: {  	_ =	shalt  }
0x73: {  	_ =	shalt  }
0x74: {  	_ =	shalt  }
0x75: {  	_ =	shalt  }
0x76: {  	_ =	shalt  }
0x77: {  	_ =	shalt  }
0x78: {  	_ =	shalt  }
0x79: {  	_ =	shalt  }
0x7a: {  	_ =	shalt  }
0x7b: {  	_ =	shalt  }
0x7c: {  	_ =	shalt  }
0x7d: {  	_ =	shalt  }
0x7e: {  	_ =	shalt  }
0x7f: {  	_ =	shalt  }
0x80: {  	_ =	shalt  }
0x81: {  	_ =	shalt  }
0x82: {  	_ =	shalt  }
0x83: {  	_ =	shalt  }
0x84: {  	_ =	shalt  }
0x85: {  	_ =	shalt  }
0x86: {  	_ =	shalt  }
0x87: {  	_ =	shalt  }
.Lfunc_end0:
.L_simem_size_0:
called_computation_lowered:
.L_overlay_start_0:
0x88: {  	s2 =	sld [smem:$0x3FD9]  }
0x89: {  	s3 =	sld [smem:$0x3FFE];
	_ =	sdelay $0x1  }
0x8a: {  	s1 =	srdreg.scid  }
0x8b: {  	s0 =	sand.u32 $0x1, s1  }
0x8c: {  	s14 =	sshll.u32 s0, $0xA;
	s2 =	sadd.s32 s3, s2  }
0x8d: {  	s2 =	sadd.s32 s2, s14  }
0x8e: {  	[smem:$0x3FC7] =	sst s2  }
0x8f: {  	_ = 	snop  }
0x90: {  	s2 =	sld [smem:$0x3FD0];
	_ =	sdelay $0x2  }
0x91: {  	s15 =	simm.s32 $0xA;
	s4 =	simm.s32 $0x10  }
0x92: {  	[smem:s4], [sflag:s15] =	dma.local [hbm:s2], $0x1  }
0x93: {  	_ =	swait.eq [sflag:s15], $0x1  }
0x94: {  	[sflag:s15] =	ssyncset.done $0x0  }
0x95: {  	s16 =	sld [smem:$0x10];
	[sflag:s15] =	ssyncadd.s32 $0xFFFFFFFF  }
0x96: {  	s17 =	sld [smem:$0x11];
	(tm) =	ssettm $0x1  }
0x97: {  	s18 =	sld [smem:$0x3FFB];
	_ =	sdelay $0x3  }
0x98: {  	_ =	strace s18  }
0x99: {  	s4 =	sld [smem:$0x3FFC];
	_ =	sdelay $0x3  }
0x9a: {  	_ =	strace s4  }
0x9b: {  	s4 =	sld [smem:$0x3FFD];
	_ =	sdelay $0x3  }
0x9c: {  	_ =	strace s4  }
0x9d: {  	_ =	strace $0x8FFFFFFF  }
0x9e: {  	s19 =	sld [smem:$0x3FDB];
	_ =	sdelay $0x1  }
0x9f: {  	s5 =	simm.s32 $_scs_section_size  }
0xa0: {  	s6 =	simm.s32 $_size__tile_overlayer_lowered;
	s7 =	simm.s32 $_tile_overlayer_lowered  }
0xa1: {  	s22 =	simm.s32 $0x1BFF;
	s21 =	sshll.u32 s7, $0x1;
	s4 =	sadd.s32 s5, s19  }
0xa2: {  	s8 =	simm.s32 $0x0;
	s20 =	sshll.u32 s6, $0x1;
	s6 =	sadd.s32 s21, s4  }
0xa3: {  	[timem:s8], [sflag:s22] =	dma.local [hbm:s6], s20  }
0xa4: {  	_ =	swait.ge [sflag:s22], s20  }
0xa5: {  	s5 =	ssub.s32 $0x0, s20;
	[sflag:s22] =	ssyncset.done $0x0  }
0xa6: {  	[sflag:s22] =	ssyncadd.s32 s5;
	_ =	sdelay $0x1  }
0xa7: {  	s23 =	simm.s32 $0x1B8B  }
0xa8: {  	_ =	swait.ge [sflag:s23], $0x1  }
0xa9: {  	[sflag:s23] =	ssyncset.done $0x0  }
0xaa: {  	s25 =	simm.s32 $0x1B8E;
	s24 =	sld [smem:$0x3FFE];
	[sflag:s23] =	ssyncadd.s32 $0xFFFFFFFF  }
0xab: {  	s26 =	simm.s32 $execute0_lowered;
	[smem:$0x3FD2] =	sst s25  }
0xac: {  	s6 =	sshll.u32 s26, $0x1;
	_ =	strace $0x80000046;
	[dreg:$0x1] =	wrdreg $0xFFFFFFFF  }
0xad: {  	s28 =	simm.s32 $_size_execute0_lowered;
	s4 =	sadd.s32 s4, s6;
	[dreg:$0x0] =	wrdreg $0x0  }
0xae: {  	s6 =	sshll.u32 s28, $0x1;
	[dreg:$0x2] =	wrdreg s4  }
0xaf: {  	[dreg:$0x3] =	wrdreg s6  }
0xb0: {  	[dreg:$0x4] =	wrdreg $0xC0  }
0xb1: {  	_ =	task [dreg:s8], $0x5FFFF  }
0xb2: {  	[dreg:$0x1] =	wrdreg $0xFFFFFFFF  }
0xb3: {  	[dreg:$0x0] =	wrdreg $0x60  }
0xb4: {  	[dreg:$0x2] =	wrdreg s24  }
0xb5: {  	[dreg:$0x3] =	wrdreg s16  }
0xb6: {  	[dreg:$0x4] =	wrdreg s17  }
0xb7: {  	[dreg:$0x5] =	wrdreg $0x9  }
0xb8: {  	_ =	task.clear_ibuf [dreg:s8], $0x6FFFF;
	_ =	strace $0x90000046  }
0xb9: {  	s29 =	simm.s32 $0x9;
	_ =	strace $0x80000048  }
0xba: {  	_ =	swait.ge [sflag:s29], $0x1  }
0xbb: {  	[sflag:s29] =	ssyncadd.s32 $0xFFFFFFFF  }
0xbc: {  	_ =	strace $0x90000048  }
0xbd: {  	_ =	sfence  }
0xbe: {  	s30 =	sld [smem:$0x0];
	_ =	sdelay $0x2  }
0xbf: {  	s31 =	sshll.u32 s1, $0xD;
	s1 =	sshrl.u32 s1, $0x2  }
0xc0: {  	s3 =	sand.u32 $0x4000, s31;
	s1 =	sadd.s32 s1, s30  }
0xc1: {  	s0 =	sor.u32 s3, s0;
	s1 =	sshll.u32 s1, $0x11  }
0xc2: {  	s0 =	sor.u32 s1, s0  }
0xc3: {  	s0 =	sadd.s32 $0x8F2B, s0  }
0xc4: {  	[sflag:s0] =	ssyncadd.remote.s32 $0x1  }
0xc5: {  	_ =	sfence.sel $0xFFFF  }
0xc6: {  	[dreg:$0x0] =	wrdreg $0xFFFFFFFF;
	(pc) =	sbr.abs _section_cstart, $3  }
0xc7: {  	[dreg:$0x1] =	wrdreg $0xFFFFFFFF  }
0xc8: {  	_ =	task.clear_ibuf [dreg:s8], $0x2FFFF;
	_ =	strace $0x9FFFFFFF  }
0xc9: {  	(tm) =	ssettm $0x7FFFFFFF  }
tec
execute0_lowered:
.L_overlay_start_1:
0x0: {  	(tag) =	ssettag $0x1  }
0x1: {  	s3 =	stileid.u32  }
0x2: {  	p0 =	sgt.u32 s3, $0x7  }
.Ltmp0:
0x3: {  	s2 =	rddreg [dreg:$0x0];
	(pc) =	sbr.rel @p0 .LBB2_21-.Ltmp0, $4  }
0x4: {  	s1 =	rddreg [dreg:$0x1];
	s4 =	simm.s32 $0x0  }
0x5: {  	s5 =	simm.s32 $0x0;
	[dreg:$0x4] =	wrdreg s4  }
0x6: {  	[smem:$0x7FF] =	sst s5  }
0x7: {  	s0 =	rddreg [dreg:$0x2];
	_ =	strace $0x80000047  }
0x8: {  	s3 =	srdreg.scid;
	s5 =	stileid.u32  }
0x9: {  	s3 =	sand.u32 $0x1, s3;
	s4 =	sshll.u32 s5, $0x8  }
0xa: {  	s5 =	sshrl.u32 s5, $0x2;
	s6 =	sshll.u32 s3, $0x7;
	s4 =	sand.u32 $0x300, s4  }
0xb: {  	s19 =	sshll.u32 s5, $0x10;
	s7 =	sshll.u32 s5, $0xD;
	s24 =	sshll.u32 s5, $0x12  }
0xc: {  	s5 =	smul.u32 $0x6000, s5;
	s3 =	ssub.s32 $0x2, s3;
	s4 =	sor.u32 s6, s4  }
0xd: {  	s26 =	sshrl.u32 s3, $0x1;
	s6 =	sor.u32 s19, s4;
	s7 =	sor.u32 s7, s4  }
0xe: {  	s25 =	sor.u32 s24, s4;
	s4 =	sor.u32 s5, s4;
	s29 =	ssub.s32 s3, s26  }
0xf: {  	s8 =	sadd.s32 $0x9000, s2;
	s28 =	sshrl.u32 s4, $0x3;
	s31 =	smax.u32 s29, $0x1  }
0x10: {  	s6 =	sshrl.u32 s6, $0x3;
	s0 =	sadd.s32 s0, s28;
	[dreg:$0xc] =	wrdreg s31  }
0x11: {  	v0 =	vimm.s32 $0x0;
	s9 =	sadd.s32 s6, s2;
	s30 =	sadd.s32 s8, s6;
	[dreg:$0xa] =	wrdreg s0  }
0x12: {  	vm4 =	vcmask $0x1310;
	vm5 =	vcmask $0x1714;
	vm6 =	vcmask $0x1B18;
	s7 =	sshrl.u32 s7, $0x3;
	s21 =	sadd.s32 $0x5000, s9;
	[dreg:$0xb] =	wrdreg s30  }
0x13: {  	vm7 =	vcmask $0x1F1C;
	vm8 =	vcmask $0x2320;
	vm9 =	vcmask $0x2724;
	s20 =	sadd.s32 s7, s2;
	s22 =	sadd.s32 $0x1000, s9;
	[dreg:$0x5] =	wrdreg s21  }
0x14: {  	vm10 =	vcmask $0x2B28;
	vm11 =	vcmask $0x2F2C;
	vm12 =	vcmask $0x3330;
	s23 =	sadd.s32 $0xD800, s20;
	s2 =	sadd.s32 $0xD000, s20;
	[dreg:$0x6] =	wrdreg s22  }
0x15: {  	vm13 =	vcmask $0x3734;
	vm0 =	vmmov $0x1;
	v4 =	vimm.s32 $0x0;
	s20 =	simm.s32 $0x6000;
	[dreg:$0x8] =	wrdreg s2;
	s2 =	sshrl.u32 s25, $0x3  }
0x16: {  	v1 =	vlaneseq.u32;
	vm14 =	vcmask $0x3B38;
	v4 =	vsel vm0, $0xFFFFFFFF, v4;
	[dreg:$0x7] =	wrdreg s23;
	s21 =	simm.s32 $0x8000;
	s1 =	sadd.s32 s1, s2  }
0x17: {  	v2 =	vimm.s32 $0x1;
	v3 =	vmul.u32 $0x10, v1;
	[tilespmem:$0x1FFF0] =	vst v4;
	v4 =	vimm.s32 $0x64;
	s2 =	simm.s32 $0x400;
	[dreg:$0x9] =	wrdreg s1;
	s1 =	simm.s32 $0x80  }
.LBB2_2:
0x18: {  	s15 =	simm.s32 $0x0;
	s3 =	simm.s32 $0x1;
	s0 =	rddreg [dreg:$0xb]  }
0x19: {  	[tilespmem:s15], [sflag:$0x1] =	stream.strided.gather [hbm4b:s0+s1], $0x2000, s2, s1, $0x38;
	[tilespmem:$0x13400] =	vst v63  }
0x1a: {  	_ =	swait.ge [sflag:s3], $0x2000  }
0x1b: {  	[sflag:s3] =	ssyncset.done $0x0  }
0x1c: {  	s4 =	simm.s32 $0x2000;
	s24 =	rddreg [dreg:$0x5];
	[sflag:s3] =	ssyncadd.s32 $0xFFFFE000  }
0x1d: {  	[tilespmem:s4], [sflag:$0x1] =	stream.strided.gather [hbm4b:s24+s1], $0x2000, s2, s1, $0x38;
	[tilespmem:$0x13400] =	vst v63  }
0x1e: {  	_ =	swait.ge [sflag:s3], $0x2000  }
0x1f: {  	[sflag:s3] =	ssyncset.done $0x0  }
0x20: {  	s26 =	simm.s32 $0x4000;
	s25 =	rddreg [dreg:$0x6];
	[sflag:s3] =	ssyncadd.s32 $0xFFFFE000  }
0x21: {  	[tilespmem:s26], [sflag:$0x1] =	stream.strided.gather [hbm4b:s25+s1], $0x2000, s2, s1, $0x38;
	[tilespmem:$0x13400] =	vst v63  }
0x22: {  	_ =	swait.ge [sflag:s3], $0x2000  }
0x23: {  	[sflag:s3] =	ssyncset.done $0x0  }
0x24: {  	s29 =	simm.s32 $0xA000;
	s28 =	rddreg [dreg:$0x7];
	[sflag:s3] =	ssyncadd.s32 $0xFFFFE000  }
0x25: {  	[tilespmem:s29], [sflag:$0x1] =	stream.strided.gather [hbm4b:s28+s1], $0x400, s2, s1, $0x38;
	[tilespmem:$0x13400] =	vst v63  }
0x26: {  	_ =	swait.ge [sflag:s3], $0x400  }
0x27: {  	[sflag:s3] =	ssyncset.done $0x0  }
0x28: {  	s31 =	simm.s32 $0xA400;
	s30 =	rddreg [dreg:$0x8];
	[sflag:s3] =	ssyncadd.s32 $0xFFFFFC00  }
0x29: {  	[tilespmem:s31], [sflag:$0x1] =	stream.strided.gather [hbm4b:s30+s1], $0x400, s2, s1, $0x38;
	[tilespmem:$0x13400] =	vst v63  }
0x2a: {  	_ =	swait.ge [sflag:s3], $0x400  }
0x2b: {  	[sflag:s3] =	ssyncset.done $0x0  }
0x2c: {  	s0 =	simm.s32 $0x40;
	s1 =	simm.s32 $0x0;
	[sflag:s3] =	ssyncadd.s32 $0xFFFFFC00  }
.LBB2_3:
0x2d: {  	p0 =	sne.s32 s0, $0x7FC0;
	[tilespmem:s1+$0x6000] =	vst v0;
	s1 =	smov.u32 s0;
	s0 =	sadd.s32 $0x40, s0  }
.Ltmp1:
0x2e: {  	(pc) =	sbr.rel @p0 .LBB2_3-.Ltmp1, $2  }
0x2f: {  	_ =	sdelay $0x2  }
0x30: {  	s1 =	sshra.s32 s1, $0x2  }
0x31: {  	[tilespmem:s1+$0x6000] =	vst v0;
	s7 =	simm.s32 $0x0  }
.LBB2_5:
0x32: {  	s1 =	simm.s32 $0x0  }
0x33: {  	v8 =	vld [tilespmem:s1+$0x6000];
	_ =	sdelay $0x1  }
0x34: {  	v7 =	vmov s15;
	v6 =	vimm.s32 $0x0;
	v5 =	vimm.s32 $0x40000000;
	s0 =	simm.s32 $0x40  }
.LBB2_6:
0x35: {  	p0 =	sne.s32 s0, $0x7FC0;
	s1 =	smov.u32 s0;
	s0 =	sadd.s32 $0x40, s0  }
.Ltmp2:
0x36: {  	(pc) =	sbr.rel @p0 .LBB2_6-.Ltmp2, $3  }
0x37: {  	s1 =	sshra.s32 s1, $0x2;
	vm0 =	veq.s32 v8, v7;
	vm15 =	vlt.s32 v5, v8  }
0x38: {  	v9 =	vmpcnt.ones.xlane vm0;
	v5 =	vsel vm15, v5, v8;
	v8 =	vld [tilespmem:s1+$0x6000];
	_ =	sdelay $0x1  }
0x39: {  	v6 =	vadd.s32 v6, v9  }
0x3a: {  	_ =	sdelay $0x1  }
0x3b: {  	vm0 =	veq.s32 v8, v7  }
0x3c: {  	v7 =	vmpcnt.ones.xlane vm0;
	_ =	sdelay $0x1  }
0x3d: {  	v6 =	vadd.s32 v6, v7  }
0x3e: {  	v6 =	vxor.u32 $0x80000000, v6  }
0x3f: {  	(xrf0) =	vmin.scan.msk.u32 $0xffff, v6  }
0x40: {  	vm0 =	vlt.s32 v5, v8  }
0x41: {  	v5 =	vsel vm0, v5, v8  }
0x42: {  	v5 =	vxor.u32 $0x80000000, v5;
	_ =	sdelay $0x1  }
0x43: {  	(xrf0) =	vmin.scan.msk.u32 $0xffff, v5  }
0x44: {  	v5, _, _ =	vpop (xrf0)  }
0x45: {  	(v2sf) =	vpush v5, $0xF;
	_ =	sdelay $0x3  }
0x46: {  	v5, _, _ =	vpop (xrf0)  }
0x47: {  	(v2sf) =	vpush v5, $0xF;
	_ =	sdelay $0x9  }
0x48: {  	s1 =	spop (v2sf)  }
0x49: {  	p0 =	sne.s32 s1, $0x80000000  }
.Ltmp3:
0x4a: {  	_ = 	snop;
	(pc) =	sbr.rel @p0 .LBB2_11-.Ltmp3, $3  }
0x4b: {  	_ =	sdelay $0x1  }
0x4c: {  	[dreg:$0xd] =	wrdreg s15;
	s0 =	spop (v2sf)  }
0x4d: {  	[dreg:$0xf] =	wrdreg s1;
	s2 =	sxor.u32 $0x80000000, s0;
	s0 =	smov.u32 s1  }
0x4e: {  	s1 =	simm.s32 $0x0  }
0x4f: {  	v6 =	vmov s2;
	v5 =	vimm.s32 $0x0;
	s0 =	simm.s32 $0x40;
	v7 =	vld [tilespmem:s1+$0x6000]  }
.LBB2_9:
0x50: {  	_ =	sdelay $0x1  }
0x51: {  	p0 =	sne.s32 s0, $0x7FC0  }
.Ltmp4:
0x52: {  	_ = 	snop;
	(pc) =	sbr.rel @p0 .LBB2_9-.Ltmp4, $4  }
0x53: {  	vm0 =	veq.s32 v7, v6  }
0x54: {  	v8 =	vmpcnt.ones.xlane vm0  }
0x55: {  	s1 =	sshra.s32 s0, $0x2  }
0x56: {  	s0 =	sadd.s32 $0x40, s0;
	v7 =	vld [tilespmem:s1+$0x6000];
	v5 =	vadd.s32 v5, v8  }
0x57: {  	_ =	sdelay $0x3  }
0x58: {  	vm0 =	veq.s32 v7, v6  }
0x59: {  	v6 =	vmpcnt.ones.xlane vm0;
	_ =	sdelay $0x1  }
0x5a: {  	v5 =	vadd.s32 v5, v6  }
0x5b: {  	v5 =	vxor.u32 $0x80000000, v5  }
0x5c: {  	(xrf0) =	vmin.scan.msk.u32 $0xffff, v5;
	_ =	sdelay $0x5  }
0x5d: {  	v5, _, _ =	vpop (xrf0)  }
0x5e: {  	(v2sf) =	vpush v5, $0xF;
	_ =	sdelay $0xe  }
0x5f: {  	s0 =	spop (v2sf)  }
.LBB2_11:
0x60: {  	v5 =	vmov s7;
	_ =	sdelay $0x3  }
0x61: {  	s1 =	simm.s32 $0xA000  }
0x62: {  	v6 =	vld.idx.msk [tilespmem:v5+s1+$0x0], $0xffff;
	_ =	sdelay $0x1  }
0x63: {  	s0 =	sxor.u32 $0x80000000, s0  }
0x64: {  	p0 =	sgt.s32 s0, $0x1  }
0x65: {  	s0 =	simm.s32 @!p0 $0x1  }
0x66: {  	v7 =	vmov s0;
	(v2sf) =	vpush v6, $0x0  }
0x67: {  	(v2sf) =	vpush v7, $0x0;
	_ =	sdelay $0x1  }
0x68: {  	s3 =	simm.s32 $0x10000  }
0x69: {  	(drf) =	srem.u32 s3, s0  }
0x6a: {  	(v2sf) =	vpush v6, $0xF  }
0x6b: {  	(v2sf) =	vpush v7, $0xF  }
0x6c: {  	(v2sf) =	vpush v6, $0x1  }
0x6d: {  	(v2sf) =	vpush v7, $0x1;
	_ =	sdelay $0x2  }
0x6e: {  	(v2sf) =	vpush v6, $0x2  }
0x6f: {  	(v2sf) =	vpush v7, $0x2  }
0x70: {  	s1 =	spop (drf);
	(v2sf) =	vpush v6, $0x3  }
0x71: {  	s1 =	smul.u32 s1, s1  }
0x72: {  	s3 =	spop (v2sf);
	(v2sf) =	vpush v7, $0x3  }
0x73: {  	(drf) =	srem.u32 s1, s0;
	s13 =	spop (v2sf);
	(v2sf) =	vpush v6, $0x4  }
0x74: {  	_ =	sdelay $0x1  }
0x75: {  	(v2sf) =	vpush v7, $0x4  }
0x76: {  	(drf) =	srem.u32 s3, s13;
	s4 =	spop (v2sf);
	(v2sf) =	vpush v6, $0x5  }
0x77: {  	s16 =	spop (v2sf);
	(v2sf) =	vpush v7, $0x5  }
0x78: {  	s5 =	spop (v2sf);
	(v2sf) =	vpush v6, $0x6  }
0x79: {  	(drf) =	srem.u32 s4, s16;
	s17 =	spop (v2sf);
	(v2sf) =	vpush v7, $0x6  }
0x7a: {  	(drf) =	srem.u32 s5, s17;
	(v2sf) =	vpush v6, $0x7  }
0x7b: {  	s6 =	spop (drf);
	(v2sf) =	vpush v7, $0x7  }
0x7c: {  	s8 =	spop (v2sf);
	(v2sf) =	vpush v6, $0x8  }
0x7d: {  	s31 =	spop (v2sf);
	(v2sf) =	vpush v7, $0x8  }
0x7e: {  	s4 =	spop (v2sf);
	(v2sf) =	vpush v6, $0x9  }
0x7f: {  	[dreg:$0xe] =	wrdreg s7;
	s7 =	spop (drf);
	(v2sf) =	vpush v7, $0x9  }
0x80: {  	s0 =	spop (v2sf);
	(v2sf) =	vpush v6, $0xA  }
0x81: {  	s5 =	spop (v2sf);
	(v2sf) =	vpush v7, $0xA  }
0x82: {  	s23 =	spop (drf)  }
0x83: {  	s1 =	spop (drf)  }
0x84: {  	s15 =	spop (v2sf)  }
0x85: {  	[dreg:$0x11] =	wrdreg s6;
	s6 =	spop (v2sf)  }
0x86: {  	[dreg:$0x16] =	wrdreg s1;
	s1 =	spop (v2sf)  }
0x87: {  	s9 =	spop (v2sf)  }
0x88: {  	(drf) =	srem.u32 s8, s31;
	(v2sf) =	vpush v6, $0xB;
	s14 =	spop (v2sf)  }
0x89: {  	(drf) =	srem.u32 s4, s0;
	(v2sf) =	vpush v7, $0xB;
	s8 =	spop (v2sf)  }
0x8a: {  	(drf) =	srem.u32 s5, s15;
	s3 =	spop (v2sf)  }
0x8b: {  	(drf) =	srem.u32 s6, s1;
	(v2sf) =	vpush v6, $0xC;
	s10 =	spop (v2sf)  }
0x8c: {  	(v2sf) =	vpush v7, $0xC;
	(drf) =	srem.u32 s9, s14;
	s4 =	spop (v2sf)  }
0x8d: {  	s12 =	simm.s32 $0xA400;
	(drf) =	srem.u32 s8, s3;
	s11 =	spop (v2sf)  }
0x8e: {  	v5 =	vld.idx.msk [tilespmem:v5+s12+$0x0], $0xffff;
	s5 =	spop (v2sf)  }
0x8f: {  	s18 =	spop (v2sf);
	(v2sf) =	vpush v6, $0xD  }
0x90: {  	(drf) =	srem.u32 s10, s4;
	s6 =	spop (v2sf);
	(v2sf) =	vpush v7, $0xD  }
0x91: {  	s24 =	spop (drf);
	(v2sf) =	vpush v6, $0xE  }
0x92: {  	[dreg:$0x12] =	wrdreg s7;
	s7 =	spop (drf);
	(v2sf) =	vpush v7, $0xE  }
0x93: {  	s25 =	spop (drf);
	(drf) =	srem.u32 s11, s5;
	(v2sf) =	vpush v5, $0x0  }
0x94: {  	s26 =	spop (drf);
	(drf) =	srem.u32 s18, s6;
	(v2sf) =	vpush v5, $0xF  }
0x95: {  	s19 =	spop (drf)  }
0x96: {  	s22 =	spop (drf);
	(v2sf) =	vpush v5, $0x1  }
0x97: {  	s9 =	spop (v2sf)  }
0x98: {  	s11 =	spop (v2sf);
	(v2sf) =	vpush v5, $0x2  }
0x99: {  	s28 =	spop (drf);
	(v2sf) =	vpush v5, $0x3  }
0x9a: {  	s10 =	spop (v2sf);
	(v2sf) =	vpush v5, $0x4  }
0x9b: {  	(drf) =	srem.u32 s9, s11;
	s8 =	spop (v2sf);
	(v2sf) =	vpush v5, $0x5  }
0x9c: {  	s29 =	spop (drf)  }
0x9d: {  	(drf) =	srem.u32 s10, s8;
	s30 =	spop (drf);
	(v2sf) =	vpush v5, $0x6  }
0x9e: {  	[dreg:$0x10] =	wrdreg s2;
	(v2sf) =	vpush v5, $0x7;
	s12 =	spop (v2sf)  }
0x9f: {  	[dreg:$0x13] =	wrdreg s13;
	s9 =	spop (v2sf)  }
0xa0: {  	[dreg:$0x1b] =	wrdreg s19;
	s19 =	spop (v2sf)  }
0xa1: {  	(drf) =	srem.u32 s12, s9;
	s10 =	spop (v2sf)  }
0xa2: {  	(drf) =	srem.u32 s19, s10;
	s2 =	spop (v2sf)  }
0xa3: {  	(drf) =	srem.u32 s2, s13;
	s13 =	spop (v2sf)  }
0xa4: {  	[dreg:$0x14] =	wrdreg s16;
	(v2sf) =	vpush v5, $0x8;
	s2 =	spop (drf)  }
0xa5: {  	(drf) =	srem.u32 s13, s16;
	s16 =	spop (v2sf)  }
0xa6: {  	[dreg:$0x19] =	wrdreg s22;
	(v2sf) =	vpush v5, $0x9;
	s13 =	spop (drf)  }
0xa7: {  	[dreg:$0x17] =	wrdreg s30;
	s18 =	spop (v2sf)  }
0xa8: {  	(v2sf) =	vpush v5, $0xA;
	(drf) =	srem.u32 s16, s17;
	s19 =	spop (v2sf)  }
0xa9: {  	(v2sf) =	vpush v5, $0xB;
	(drf) =	srem.u32 s18, s31;
	s22 =	spop (v2sf)  }
0xaa: {  	(drf) =	srem.u32 s19, s0;
	s30 =	spop (v2sf)  }
0xab: {  	(v2sf) =	vpush v5, $0xC;
	(drf) =	srem.u32 s22, s15;
	s12 =	spop (drf)  }
0xac: {  	(v2sf) =	vpush v5, $0xD;
	(drf) =	srem.u32 s30, s1;
	s30 =	spop (v2sf)  }
0xad: {  	(v2sf) =	vpush v5, $0xE;
	(drf) =	srem.u32 s30, s14;
	s30 =	spop (v2sf)  }
0xae: {  	s19 =	spop (drf)  }
0xaf: {  	[dreg:$0x18] =	wrdreg s28;
	s28 =	spop (drf)  }
0xb0: {  	s18 =	spop (drf)  }
0xb1: {  	[dreg:$0x15] =	wrdreg s17;
	s16 =	spop (drf)  }
0xb2: {  	[dreg:$0x1a] =	wrdreg s29;
	s29 =	spop (drf)  }
0xb3: {  	(drf) =	srem.u32 s30, s3;
	s30 =	spop (v2sf)  }
0xb4: {  	v5 =	vmov s23;
	s23 =	rddreg [dreg:$0x12];
	s17 =	spop (drf)  }
0xb5: {  	vm0 =	vcmask $0x300;
	v6 =	vmov s18;
	(drf) =	srem.u32 s30, s4;
	s30 =	spop (v2sf)  }
0xb6: {  	vm1 =	vcmask $0x704;
	v5 =	vsel vm0, s23, v5;
	s23 =	rddreg [dreg:$0x16];
	v6 =	vsel vm0, s28, v6;
	s22 =	spop (drf)  }
0xb7: {  	vm2 =	vcmask $0xB08;
	v5 =	vsel vm1, s23, v5;
	v6 =	vsel vm1, s16, v6;
	(drf) =	srem.u32 s30, s5;
	s23 =	spop (v2sf)  }
0xb8: {  	vm3 =	vcmask $0xF0C;
	v5 =	vsel vm2, s24, v5;
	v6 =	vsel vm2, s29, v6;
	(drf) =	srem.u32 s23, s6;
	s24 =	spop (v2sf)  }
0xb9: {  	v6 =	vsel vm3, s17, v6;
	s17 =	rddreg [dreg:$0x1b];
	s18 =	spop (drf)  }
0xba: {  	v5 =	vsel vm3, s7, v5;
	(drf) =	srem.u32 s24, s11;
	s28 =	spop (v2sf)  }
0xbb: {  	v5 =	vsel vm4, s25, v5;
	(drf) =	srem.u32 s28, s8;
	s29 =	spop (v2sf)  }
0xbc: {  	v5 =	vsel vm5, s26, v5;
	(drf) =	srem.u32 s29, s9;
	s30 =	spop (v2sf)  }
0xbd: {  	v5 =	vsel vm6, s17, v5;
	v6 =	vsel vm4, s22, v6;
	s22 =	rddreg [dreg:$0x19];
	(drf) =	srem.u32 s30, s10  }
0xbe: {  	s23 =	spop (drf);
	s24 =	rddreg [dreg:$0x18];
	v5 =	vsel vm7, s22, v5;
	v6 =	vsel vm5, s18, v6  }
0xbf: {  	s26 =	rddreg [dreg:$0x1a];
	s25 =	spop (drf);
	v5 =	vsel vm8, s24, v5;
	v6 =	vsel vm6, s23, v6  }
0xc0: {  	s29 =	rddreg [dreg:$0x17];
	v5 =	vsel vm9, s26, v5;
	v6 =	vsel vm7, s25, v6;
	s28 =	spop (drf)  }
0xc1: {  	v5 =	vsel vm10, s29, v5;
	v6 =	vsel vm8, s28, v6;
	s30 =	spop (drf)  }
0xc2: {  	v5 =	vsel vm11, s2, v5;
	v6 =	vsel vm9, s30, v6;
	s7 =	spop (drf)  }
0xc3: {  	v5 =	vsel vm12, s13, v5;
	v6 =	vsel vm10, s7, v6;
	s13 =	spop (drf)  }
0xc4: {  	v5 =	vsel vm13, s12, v5;
	v6 =	vsel vm11, s13, v6;
	s16 =	spop (drf)  }
0xc5: {  	s18 =	rddreg [dreg:$0x11];
	v5 =	vsel vm14, s19, v5;
	v6 =	vsel vm12, s16, v6;
	s17 =	spop (drf)  }
0xc6: {  	v5 =	vmul.u32 s18, v5;
	v6 =	vsel vm13, s17, v6;
	s19 =	spop (drf)  }
0xc7: {  	v6 =	vsel vm14, s19, v6  }
0xc8: {  	v5 =	vadd.s32 v6, v5  }
0xc9: {  	(v2sf) =	vpush v5, $0x0  }
0xca: {  	(v2sf) =	vpush v5, $0xF  }
0xcb: {  	(v2sf) =	vpush v5, $0x1  }
0xcc: {  	(v2sf) =	vpush v5, $0x2  }
0xcd: {  	(v2sf) =	vpush v5, $0x3  }
0xce: {  	(v2sf) =	vpush v5, $0x4  }
0xcf: {  	(v2sf) =	vpush v5, $0x5  }
0xd0: {  	(v2sf) =	vpush v5, $0x6  }
0xd1: {  	(v2sf) =	vpush v5, $0x7  }
0xd2: {  	(v2sf) =	vpush v5, $0x8  }
0xd3: {  	(v2sf) =	vpush v5, $0x9;
	_ =	sdelay $0x1  }
0xd4: {  	(v2sf) =	vpush v5, $0xA;
	_ =	sdelay $0x1  }
0xd5: {  	(v2sf) =	vpush v5, $0xB  }
0xd6: {  	s22 =	spop (v2sf)  }
0xd7: {  	s26 =	rddreg [dreg:$0x13];
	s23 =	spop (v2sf)  }
0xd8: {  	(drf) =	srem.u32 s22, s26;
	s24 =	spop (v2sf)  }
0xd9: {  	s29 =	rddreg [dreg:$0x14];
	s25 =	spop (v2sf)  }
0xda: {  	(v2sf) =	vpush v5, $0xC;
	(drf) =	srem.u32 s23, s29;
	s28 =	spop (v2sf)  }
0xdb: {  	s17 =	rddreg [dreg:$0x15];
	(v2sf) =	vpush v5, $0xD;
	s30 =	spop (v2sf)  }
0xdc: {  	(v2sf) =	vpush v5, $0xE;
	(drf) =	srem.u32 s24, s17;
	s18 =	spop (v2sf)  }
0xdd: {  	(drf) =	srem.u32 s25, s31;
	s19 =	spop (v2sf)  }
0xde: {  	(drf) =	srem.u32 s28, s0;
	s22 =	spop (v2sf)  }
0xdf: {  	(drf) =	srem.u32 s30, s15;
	s23 =	spop (v2sf)  }
0xe0: {  	s24 =	spop (v2sf)  }
0xe1: {  	s28 =	spop (drf)  }
0xe2: {  	s25 =	spop (v2sf)  }
0xe3: {  	(drf) =	srem.u32 s18, s1;
	s29 =	spop (drf)  }
0xe4: {  	(drf) =	srem.u32 s19, s14;
	s26 =	spop (v2sf)  }
0xe5: {  	(drf) =	srem.u32 s22, s3;
	s30 =	spop (drf)  }
0xe6: {  	(drf) =	srem.u32 s23, s4;
	s31 =	spop (drf)  }
0xe7: {  	(drf) =	srem.u32 s24, s5;
	v5 =	vmov s29;
	s4 =	spop (drf)  }
0xe8: {  	(drf) =	srem.u32 s25, s6;
	v5 =	vsel vm0, s28, v5;
	s5 =	spop (drf)  }
0xe9: {  	(drf) =	srem.u32 s26, s11;
	v5 =	vsel vm1, s30, v5;
	s6 =	spop (v2sf)  }
0xea: {  	v5 =	vsel vm2, s31, v5;
	(drf) =	srem.u32 s6, s8;
	s7 =	spop (v2sf)  }
0xeb: {  	v5 =	vsel vm3, s4, v5;
	(drf) =	srem.u32 s7, s9;
	s8 =	spop (v2sf)  }
0xec: {  	v5 =	vsel vm4, s5, v5;
	s9 =	spop (drf);
	(drf) =	srem.u32 s8, s10  }
0xed: {  	s11 =	spop (drf);
	v5 =	vsel vm5, s9, v5  }
0xee: {  	s12 =	spop (drf);
	v5 =	vsel vm6, s11, v5  }
0xef: {  	s13 =	spop (drf);
	v5 =	vsel vm7, s12, v5  }
0xf0: {  	s14 =	spop (drf);
	v5 =	vsel vm8, s13, v5  }
0xf1: {  	s15 =	spop (drf);
	v5 =	vsel vm9, s14, v5  }
0xf2: {  	s16 =	spop (drf);
	v5 =	vsel vm10, s15, v5  }
0xf3: {  	v5 =	vsel vm11, s16, v5;
	s17 =	spop (drf)  }
0xf4: {  	s18 =	spop (drf);
	v5 =	vsel vm12, s17, v5  }
0xf5: {  	v5 =	vsel vm13, s18, v5;
	s22 =	spop (drf)  }
0xf6: {  	s19 =	simm.s32 $0x6000;
	v5 =	vsel vm14, s22, v5  }
0xf7: {  	s0 =	rddreg [dreg:$0x10];
	v6 =	vld [tilespmem:s19+$0x0];
	v5 =	vor.u32 $0x80000000, v5  }
0xf8: {  	s23 =	rddreg [dreg:$0xf];
	(xrf0) =	vmin.scan.msk.u32 $0xffff, v5  }
0xf9: {  	p0 =	seq.s32 s23, $0x80000000;
	s15 =	rddreg [dreg:$0xd]  }
0xfa: {  	s15 =	smov.u32 @p0 s0  }
0xfb: {  	v5 =	vmov s15  }
0xfc: {  	vm0 =	veq.s32 v6, v5  }
0xfd: {  	v6 =	vmpcnt.ones.xlane vm0  }
0xfe: {  	v7, _, _ =	vpop (xrf0)  }
0xff: {  	v6 =	vxor.u32 $0x80000000, v6;
	(v2sf) =	vpush v7, $0xF  }
0x100: {  	s24 =	simm.s32 $0x6010;
	(xrf0) =	vmin.scan.msk.u32 $0xffff, v6  }
0x101: {  	v6 =	vld [tilespmem:s24+$0x0];
	_ =	sdelay $0x4  }
0x102: {  	vm15 =	veq.s32 v6, v5;
	v6, _, _ =	vpop (xrf0)  }
0x103: {  	(v2sf) =	vpush v6, $0xF  }
0x104: {  	vm0 =	vmmov vm0;
	v7 =	vmpcnt.ones.xlane vm15  }
0x105: {  	v8 =	vsel vm0, $0x1, v0  }
0x106: {  	(xrf0) =	vadd.scan.msk.s32 $0xffff, v8;
	v6 =	vxor.u32 $0x80000000, v7  }
0x107: {  	(xrf0) =	vmin.scan.msk.u32 $0xffff, v6;
	_ =	sdelay $0x1  }
0x108: {  	s25 =	simm.s32 $0x6020  }
0x109: {  	v62 =	vld [tilespmem:s25+$0x0];
	s26 =	spop (v2sf)  }
0x10a: {  	s3 =	simm.s32 $0x0;
	s0 =	sadd.s32 $0x80000001, s26  }
0x10b: {  	v6, _, _ =	vpop (xrf0);
	s1 =	ssub.s32 s0, s3  }
0x10c: {  	vm15 =	vmmov vm15;
	v7, _, _ =	vpop (xrf0);
	vm1 =	veq.s32 v6, s1  }
0x10d: {  	(v2sf) =	vpush v7, $0xF;
	v7 =	vsel vm15, $0x1, v0;
	vm0 =	vmand vm0, vm1  }
0x10e: {  	(xrf0) =	vadd.scan.msk.s32 $0xffff, v7;
	v6 =	vmctz.xlane vm0;
	vm0 =	veq.s32 v62, v5  }
0x10f: {  	v7 =	vmpcnt.ones.xlane vm0  }
0x110: {  	v6 =	vxor.u32 $0x80000000, v6  }
0x111: {  	s29 =	spop (v2sf);
	(xrf0) =	vmin.scan.msk.u32 $0xffff, v6;
	v6 =	vxor.u32 $0x80000000, v7  }
0x112: {  	s2 =	sadd.s32 $0x0, s29  }
0x113: {  	s4 =	sadd.s32 $0x80000000, s2  }
0x114: {  	s30 =	ssub.s32 s0, s4;
	(xrf0) =	vmin.scan.msk.u32 $0xffff, v6;
	v6, _, _ =	vpop (xrf0)  }
0x115: {  	vm1 =	veq.s32 v6, s30  }
0x116: {  	vm1 =	vmand vm15, vm1;
	vm15 =	vmmov vm0  }
0x117: {  	s28 =	simm.s32 $0x6030;
	v7 =	vsel vm15, $0x1, v0  }
0x118: {  	v63 =	vld [tilespmem:s28+$0x0];
	_ =	sdelay $0x1  }
0x119: {  	(xrf0) =	vadd.scan.msk.s32 $0xffff, v7;
	v7, _, _ =	vpop (xrf0)  }
0x11a: {  	(v2sf) =	vpush v7, $0xF  }
0x11b: {  	v6 =	vmctz.xlane vm1;
	v7, _, _ =	vpop (xrf0)  }
0x11c: {  	vm0 =	veq.s32 v63, v5;
	(v2sf) =	vpush v7, $0xF  }
0x11d: {  	v8 =	vmpcnt.ones.xlane vm0;
	v6 =	vxor.u32 $0x80000000, v6  }
0x11e: {  	s6 =	simm.s32 $0x80000020;
	s7 =	simm.s32 $0x80000010;
	(xrf0) =	vmin.scan.msk.u32 $0xffff, v6  }
0x11f: {  	s5 =	simm.s32 $0x80000030;
	s8 =	simm.s32 $0x80000000;
	s9 =	simm.s32 $0x6040;
	v6 =	vxor.u32 $0x80000000, v8  }
0x120: {  	s10 =	simm.s32 $0x80000040;
	p6 =	sge.s32 s4, s0;
	s31 =	spop (v2sf);
	(xrf0) =	vmin.scan.msk.u32 $0xffff, v6  }
0x121: {  	s1 =	simm.s32 $0x40000000;
	p0 =	por p6, p6;
	s11 =	sadd.s32 s31, s4  }
.LBB2_12:
0x122: {  	v6 =	vld [tilespmem:s9+$0x0];
	p1 =	sne.s32 s10, $0x80001FF0;
	s2 =	sadd.s32 $0x80000000, s11;
	s11 =	smov.u32 s3  }
0x123: {  	s3 =	smov.u32 s4;
	s12 =	ssub.s32 s0, s2;
	v7, _, _ =	vpop (xrf0);
	p3 =	sge.s32 s2, s0  }
0x124: {  	s4 =	smov.u32 s2;
	vm1 =	veq.s32 v7, s12;
	v7, _, _ =	vpop (xrf0);
	s12 =	smov.u32 s7;
	s7 =	smov.u32 s6  }
0x125: {  	p2 =	por p0, p0;
	s6 =	smov.u32 s5;
	s5 =	smov.u32 s10;
	vm1 =	vmand vm15, vm1;
	(v2sf) =	vpush v7, $0xF;
	vm15 =	vmmov vm0  }
0x126: {  	p0 =	por p3, p3;
	v7, _, _ =	vpop (xrf0);
	v8 =	vmctz.xlane vm1  }
0x127: {  	vm0 =	veq.s32 v6, v5;
	v6 =	vsel vm15, $0x1, v0;
	(v2sf) =	vpush v7, $0xF  }
.Ltmp5:
0x128: {  	v7 =	vmpcnt.ones.xlane vm0;
	(xrf0) =	vadd.scan.msk.s32 $0xffff, v6;
	v6 =	vxor.u32 $0x80000000, v8;
	(pc) =	sbr.rel @p1 .LBB2_12-.Ltmp5, $4  }
0x129: {  	s9 =	sadd.s32 $0x10, s9;
	(xrf0) =	vmin.scan.msk.u32 $0xffff, v6;
	s13 =	spop (v2sf)  }
0x12a: {  	s14 =	smov.u32 s1;
	v6 =	vxor.u32 $0x80000000, v7;
	s13 =	sadd.s32 s8, s13;
	s8 =	smov.u32 s12  }
0x12b: {  	p3 =	sgt.s32 s0, s11;
	(xrf0) =	vmin.scan.msk.u32 $0xffff, v6;
	s12 =	spop (v2sf);
	s14 =	smov.u32 @p2 s13  }
0x12c: {  	s10 =	sadd.s32 $0x10, s10;
	s11 =	sadd.s32 s12, s2;
	s1 =	smov.u32 @p3 s14  }
0x12d: {  	_ =	sdelay $0x3  }
0x12e: {  	vm0 =	vmmov vm0  }
0x12f: {  	v5 =	vsel vm0, $0x1, v0  }
0x130: {  	(xrf0) =	vadd.scan.msk.s32 $0xffff, v5;
	_ =	sdelay $0x1  }
0x131: {  	s2 =	sadd.s32 $0x80000000, s11;
	s9 =	spop (v2sf)  }
0x132: {  	s10 =	ssub.s32 s0, s2;
	v5, _, _ =	vpop (xrf0);
	s19 =	spop (v2sf)  }
0x133: {  	vm1 =	veq.s32 v5, s10;
	v5, _, _ =	vpop (xrf0);
	s22 =	sadd.s32 s19, s2  }
0x134: {  	vm1 =	vmand vm15, vm1;
	v6, _, _ =	vpop (xrf0);
	s10 =	sadd.s32 $0x80000000, s22  }
0x135: {  	v7 =	vmctz.xlane vm1;
	v8, _, _ =	vpop (xrf0);
	s23 =	ssub.s32 s0, s10  }
0x136: {  	vm1 =	veq.s32 v8, s23  }
0x137: {  	v7 =	vxor.u32 $0x80000000, v7;
	vm0 =	vmand vm0, vm1  }
0x138: {  	(xrf0) =	vmin.scan.msk.u32 $0xffff, v7;
	v7 =	vmctz.xlane vm0;
	_ =	sdelay $0x1  }
0x139: {  	v7 =	vxor.u32 $0x80000000, v7  }
0x13a: {  	(xrf0) =	vmin.scan.msk.u32 $0xffff, v7  }
0x13b: {  	(v2sf) =	vpush v5, $0xF;
	_ =	sdelay $0x1  }
0x13c: {  	(v2sf) =	vpush v6, $0xF;
	v5, _, _ =	vpop (xrf0)  }
0x13d: {  	(v2sf) =	vpush v5, $0xF;
	_ =	sdelay $0x1  }
0x13e: {  	v5, _, _ =	vpop (xrf0)  }
0x13f: {  	(v2sf) =	vpush v5, $0xF;
	_ =	sdelay $0x4  }
0x140: {  	p0 =	por p0, p0  }
0x141: {  	p1 =	sge.s32 s2, s0;
	s8 =	sadd.s32 s8, s9;
	s9 =	smov.u32 s1  }
0x142: {  	p2 =	sgt.s32 s0, s3;
	p1 =	por p1, p1;
	s9 =	smov.u32 @p0 s8  }
0x143: {  	p1 =	por p1, p1;
	s1 =	smov.u32 @p2 s9  }
0x144: {  	p2 =	sgt.s32 s0, s4;
	p4 =	sge.s32 s10, s0;
	s24 =	spop (v2sf)  }
0x145: {  	p0 =	por p4, p4;
	s3 =	sadd.s32 s7, s24;
	s7 =	smov.u32 s1  }
0x146: {  	p0 =	por p0, p0;
	s25 =	spop (v2sf);
	s7 =	smov.u32 @p1 s3  }
0x147: {  	s26 =	sadd.s32 s25, s10;
	s1 =	smov.u32 @p2 s7;
	s28 =	spop (v2sf)  }
0x148: {  	s3 =	sadd.s32 $0x80000000, s26;
	s4 =	sadd.s32 s6, s28;
	s6 =	smov.u32 s1  }
0x149: {  	p2 =	sgt.s32 s0, s2;
	p5 =	sge.s32 s3, s0;
	s6 =	smov.u32 @p0 s4  }
0x14a: {  	p6 =	por p5, p5;
	s1 =	smov.u32 @p2 s6;
	s29 =	spop (v2sf)  }
0x14b: {  	p0 =	por p6, p6;
	s3 =	smov.u32 s1;
	s2 =	sadd.s32 s5, s29  }
0x14c: {  	p1 =	sgt.s32 s0, s10;
	s3 =	smov.u32 @p0 s2  }
0x14d: {  	s1 =	smov.u32 @p1 s3  }
0x14e: {  	v5 =	vmov s1;
	_ =	sdelay $0x1  }
0x14f: {  	s30 =	simm.s32 $0x0  }
0x150: {  	s31 =	simm.s32 $0x2000;
	v11 =	vld [tilespmem:s30+$0x0]  }
0x151: {  	v12 =	vld [tilespmem:s31+$0x0]  }
0x152: {  	v6 =	vld.idx.msk [tilespmem:v5+s30+$0x0], $0xffff  }
0x153: {  	s1 =	simm.s32 $0x4000;
	v7 =	vld.idx.msk [tilespmem:v5+s31+$0x0], $0xffff  }
0x154: {  	v13 =	vld [tilespmem:s1+$0x0]  }
0x155: {  	v8 =	vld.idx.msk [tilespmem:v5+s1+$0x0], $0xffff;
	_ =	sdelay $0x2  }
0x156: {  	v11 =	vsub.f32 v11, v6;
	v12 =	vsub.f32 v12, v7;
	_ =	sdelay $0x1  }
0x157: {  	v13 =	vsub.f32 v13, v8;
	v11 =	vmul.f32 v11, v11;
	v12 =	vmul.f32 v12, v12;
	_ =	sdelay $0x1  }
0x158: {  	v13 =	vmul.f32 v13, v13;
	v11 =	vadd.f32 v12, v11;
	_ =	sdelay $0x1  }
0x159: {  	v12 =	vadd.f32 v13, v11  }
0x15a: {  	v9 =	vimm.f32 $+Inf;
	s0 =	simm.s32 $0x8000  }
0x15b: {  	v10 =	vimm.s32 $0x40000000;
	v63 =	vor.u32 s30, v1;
	s7 =	rddreg [dreg:$0xe];
	s3 =	simm.s32 $0x10;
	[tilespmem:s0+$0x0] =	vst v12;
	vm0 =	vlt.f32 v12, v9  }
0x15c: {  	s4 =	simm.s32 $0x20;
	s6 =	simm.s32 $0x10;
	s5 =	simm.s32 $0x2010;
	v11 =	vld [tilespmem:s3+$0x0];
	v9 =	vsel vm0, v12, v9;
	v10 =	vsel vm0, v63, v10  }
.LBB2_14:
0x15d: {  	p0 =	seq.s32 s4, $0x1FF0;
	v12 =	vld [tilespmem:s5+$0x0]  }
0x15e: {  	s1 =	sadd.s32 $0x10, s1  }
0x15f: {  	v13 =	vld [tilespmem:s1+$0x0];
	_ =	sdelay $0x2  }
0x160: {  	v11 =	vsub.f32 v11, v6;
	v12 =	vsub.f32 v12, v7;
	_ =	sdelay $0x1  }
0x161: {  	v11 =	vmul.f32 v11, v11;
	v13 =	vsub.f32 v13, v8;
	v12 =	vmul.f32 v12, v12;
	_ =	sdelay $0x1  }
0x162: {  	v13 =	vmul.f32 v13, v13;
	v11 =	vadd.f32 v12, v11  }
.Ltmp6:
0x163: {  	(pc) =	sbr.rel @!p0 .LBB2_14-.Ltmp6, $4  }
0x164: {  	v12 =	vadd.f32 v13, v11  }
0x165: {  	s0 =	sadd.s32 $0x10, s0  }
0x166: {  	s6 =	sadd.s32 $0x10, s6;
	v13 =	vor.u32 s3, v1;
	s3 =	smov.u32 s4;
	[tilespmem:s0+$0x0] =	vst v12;
	vm0 =	vlt.f32 v12, v9  }
0x167: {  	s5 =	sadd.s32 $0x10, s5;
	s4 =	sadd.s32 $0x10, s4;
	v11 =	vld [tilespmem:s6+$0x0];
	v9 =	vsel vm0, v12, v9;
	v10 =	vsel vm0, v13, v10  }
0x168: {  	v12 =	vld [tilespmem:s5+$0x0]  }
0x169: {  	s1 =	sadd.s32 $0x10, s1  }
0x16a: {  	v13 =	vld [tilespmem:s1+$0x0];
	_ =	sdelay $0x2  }
0x16b: {  	v11 =	vsub.f32 v11, v6;
	v12 =	vsub.f32 v12, v7;
	_ =	sdelay $0x1  }
0x16c: {  	v13 =	vsub.f32 v13, v8;
	v11 =	vmul.f32 v11, v11;
	v12 =	vmul.f32 v12, v12;
	_ =	sdelay $0x1  }
0x16d: {  	v13 =	vmul.f32 v13, v13;
	v11 =	vadd.f32 v12, v11;
	_ =	sdelay $0x1  }
0x16e: {  	v11 =	vadd.f32 v13, v11;
	_ =	sdelay $0x1  }
0x16f: {  	s0 =	sadd.s32 $0x10, s0;
	v63 =	vor.u32 s3, v1;
	s3 =	simm.s32 $0x0;
	vm0 =	vlt.f32 v11, v9  }
0x170: {  	s6 =	simm.s32 $0xA800;
	s1 =	simm.s32 $0x0;
	[tilespmem:s0+$0x0] =	vst v11;
	s0 =	sshll.u32 s7, $0x5;
	v9 =	vsel vm0, v11, v9;
	v10 =	vsel vm0, v63, v10  }
.LBB2_16:
0x171: {  	(xrf0) =	vmin.scan.msk.f32 $0xffff, v9;
	_ =	sdelay $0x5  }
0x172: {  	v11, _, _ =	vpop (xrf0)  }
0x173: {  	v11 =	vbroadcast v11, $0xF;
	_ =	sdelay $0x1  }
0x174: {  	v12 =	vxor.u32 $0x80000000, v10;
	vm0 =	veq.f32 v9, v11  }
0x175: {  	v12 =	vnsel vm0, $0xC0000000, v12  }
0x176: {  	(xrf0) =	vmin.scan.msk.u32 $0xffff, v12;
	_ =	sdelay $0x5  }
0x177: {  	v12, _, _ =	vpop (xrf0)  }
0x178: {  	(v2sf) =	vpush v12, $0xF;
	_ =	sdelay $0xe  }
0x179: {  	s4 =	sadd.s32 s0, s3;
	s2 =	spop (v2sf)  }
0x17a: {  	v13 =	vmov s4;
	s5 =	sxor.u32 $0x80000000, s2;
	s4 =	sand.u32 $0xF, s2  }
0x17b: {  	v12 =	vmov s5;
	s2 =	sor.u32 s4, s1  }
0x17c: {  	v16 =	vor.u32 s2, v3;
	_ =	sdelay $0x2  }
0x17d: {  	s30 =	simm.s32 $0x100;
	[tilespmem:v13+s6+$0x0] =	vst.idx.msk $0x1, v12  }
0x17e: {  	s2 =	sor.u32 s4, s30;
	[tilespmem:v12+s20+$0x0] =	vst.idx.add.s32.msk $0x1, v2  }
0x17f: {  	v15 =	vor.u32 s2, v3;
	v19 =	vld.idx.msk [tilespmem:v16+s21+$0x0], $0xffff;
	_ =	sdelay $0x2  }
0x180: {  	v18 =	vimm.s32 $0x40000000  }
0x181: {  	v17 =	vimm.f32 $+Inf;
	vm1 =	vgt.s32 v16, v12;
	vm3 =	vlt.s32 v16, v18  }
0x182: {  	v20 =	vld.idx.msk [tilespmem:v15+s21+$0x0], $0xffff;
	vm0 =	vgt.f32 v19, v11;
	vm15 =	veq.f32 v19, v11;
	vm2 =	veq.f32 v19, v17  }
0x183: {  	s31 =	simm.s32 $0x200;
	vm1 =	vmand vm1, vm15;
	vm15 =	vlt.f32 v19, v17;
	vm2 =	vmand vm3, vm2  }
0x184: {  	s2 =	sor.u32 s4, s31;
	vm0 =	vmor vm0, vm1;
	vm1 =	vmor vm15, vm2  }
0x185: {  	s5 =	simm.s32 $0x300;
	v13 =	vmov s4;
	v14 =	vor.u32 s2, v3;
	vm0 =	vmand vm0, vm1  }
.LBB2_17:
0x186: {  	s2 =	sor.u32 s4, s5;
	v17 =	vsel vm0, v19, v17;
	v18 =	vsel vm0, v16, v18;
	v16 =	vmovc v15;
	v15 =	vmov v14;
	p0 =	sne.s32 s5, $0x1F00  }
.Ltmp7:
0x187: {  	vm0 =	vgt.f32 v20, v11;
	v19 =	vmovc v20;
	vm1 =	vgt.s32 v16, v12;
	v20 =	vld.idx.msk [tilespmem:v14+s21+$0x0], $0xffff;
	v14 =	vor.u32 s2, v3;
	(pc) =	sbr.rel @p0 .LBB2_17-.Ltmp7, $4  }
0x188: {  	s5 =	sadd.s32 $0x100, s5;
	vm2 =	veq.f32 v19, v11;
	vm3 =	veq.f32 v19, v17;
	vm15 =	vlt.s32 v16, v18  }
0x189: {  	vm1 =	vmand vm1, vm2;
	vm2 =	vlt.f32 v19, v17;
	vm3 =	vmand vm15, vm3  }
0x18a: {  	vm0 =	vmor vm0, vm1;
	vm1 =	vmor vm2, vm3  }
0x18b: {  	vm0 =	vmand vm0, vm1  }
0x18c: {  	_ =	sdelay $0x2  }
0x18d: {  	v17 =	vsel vm0, v19, v17  }
0x18e: {  	v16 =	vsel vm0, v16, v18;
	vm0 =	vgt.f32 v20, v11;
	vm1 =	vgt.s32 v15, v12;
	v60 =	vld.idx.msk [tilespmem:v14+s21+$0x0], $0xffff  }
0x18f: {  	vm2 =	veq.f32 v20, v11;
	vm3 =	veq.f32 v20, v17;
	vm15 =	vlt.s32 v15, v16  }
0x190: {  	vm1 =	vmand vm1, vm2;
	vm2 =	vlt.f32 v20, v17;
	vm3 =	vmand vm15, vm3  }
0x191: {  	vm0 =	vmor vm0, vm1;
	vm1 =	vmor vm2, vm3  }
0x192: {  	vm0 =	vmand vm0, vm1;
	vm1 =	vgt.s32 v14, v12  }
0x193: {  	v17 =	vsel vm0, v20, v17;
	v61 =	vsel vm0, v15, v16;
	vm0 =	vgt.f32 v60, v11  }
0x194: {  	vm2 =	veq.f32 v60, v11;
	vm3 =	veq.f32 v60, v17;
	vm15 =	vlt.s32 v14, v61  }
0x195: {  	vm1 =	vmand vm1, vm2;
	vm2 =	vlt.f32 v60, v17;
	vm3 =	vmand vm15, vm3  }
0x196: {  	vm0 =	vmor vm0, vm1;
	vm1 =	vmor vm2, vm3  }
0x197: {  	vm0 =	vmand vm0, vm1  }
0x198: {  	v11 =	vsel vm0, v60, v17  }
0x199: {  	(xrf0) =	vmin.scan.msk.f32 $0xffff, v11;
	_ =	sdelay $0x5  }
0x19a: {  	v62, _, _ =	vpop (xrf0)  }
0x19b: {  	v12 =	vbroadcast v62, $0xF  }
0x19c: {  	v63 =	vsel vm0, v14, v61  }
0x19d: {  	vm0 =	veq.f32 v11, v12;
	v11 =	vxor.u32 $0x80000000, v63  }
0x19e: {  	v11 =	vnsel vm0, $0xC0000000, v11  }
0x19f: {  	(xrf0) =	vmin.scan.msk.u32 $0xffff, v11;
	_ =	sdelay $0x5  }
0x1a0: {  	v11, _, _ =	vpop (xrf0)  }
0x1a1: {  	(v2sf) =	vpush v11, $0xF;
	_ =	sdelay $0xa  }
0x1a2: {  	s3 =	sadd.s32 $0x1, s3  }
0x1a3: {  	p0 =	sne.s32 s3, $0x20  }
.Ltmp8:
0x1a4: {  	_ = 	snop;
	(pc) =	sbr.rel @p0 .LBB2_16-.Ltmp8, $4  }
0x1a5: {  	v11 =	vbroadcast v13, $0x0  }
0x1a6: {  	v12 =	vadd.f32 $0.0e+00, v12;
	s2 =	spop (v2sf)  }
0x1a7: {  	vm0 =	veq.s32 v11, v1;
	s2 =	sxor.u32 $0x80000000, s2  }
0x1a8: {  	v9 =	vsel vm0, v12, v9;
	v10 =	vsel vm0, s2, v10  }
0x1a9: {  	_ =	sdelay $0x3  }
0x1aa: {  	[tilespmem:v5+s20+$0x0] =	vst.idx.add.s32.msk $0x1, v4  }
0x1ab: {  	s0 =	smul.u32 $0x3, s7;
	v5 =	vld [tilespmem:$0x1FFF0]  }
0x1ac: {  	s7 =	sadd.s32 $0x1, s7  }
0x1ad: {  	p0 =	sne.s32 s7, $0x400;
	v9 =	vadd.s32 s0, v1  }
.Ltmp9:
0x1ae: {  	_ = 	snop;
	(pc) =	sbr.rel @p0 .LBB2_5-.Ltmp9, $4  }
0x1af: {  	vm0 =	vcmask $0x3F08  }
0x1b0: {  	v7 =	vsel vm0, v8, v7;
	vm0 =	vnez.u8 v5  }
0x1b1: {  	s31 =	simm.s32 $0x12800;
	v5 =	vsel vm0, v6, v7  }
0x1b2: {  	s2 =	simm.s32 $0x400;
	[tilespmem:v9+s31+$0x0] =	vst.idx.msk $0x7, v5  }
0x1b3: {  	s0 =	rddreg [dreg:$0x9];
	s1 =	simm.s32 $0x80;
	s3 =	simm.s32 $0x1  }
0x1b4: {  	[hbm4b:s0+s1] =	stream.strided.scatter [tilespmem:s6], [sflag:$0x1], $0x8000, s2, s1, $0x38;
	[tilespmem:$0x13400] =	vst v63  }
0x1b5: {  	_ =	swait.ge [sflag:s3], $0x8000  }
0x1b6: {  	[sflag:s3] =	ssyncset.done $0x0  }
0x1b7: {  	s4 =	simm.s32 $0x12800;
	s28 =	rddreg [dreg:$0xa];
	[sflag:s3] =	ssyncadd.s32 $0xFFFF8000  }
0x1b8: {  	[hbm4b:s28+s1] =	stream.strided.scatter [tilespmem:s4], [sflag:$0x1], $0xC00, s2, s1, $0x38;
	[tilespmem:$0x13400] =	vst v63  }
0x1b9: {  	_ =	swait.ge [sflag:s3], $0xC00  }
0x1ba: {  	s29 =	rddreg [dreg:$0x4]  }
0x1bb: {  	s30 =	rddreg [dreg:$0xc];
	s0 =	sadd.s32 $0x1, s29  }
0x1bc: {  	p0 =	sne.s32 s0, s30  }
.Ltmp10:
0x1bd: {  	_ = 	snop;
	(pc) =	sbr.rel @p0 .LBB2_2-.Ltmp10, $3  }
0x1be: {  	_ =	sdelay $0x1  }
0x1bf: {  	s31 =	simm.s32 $0x1;
	[sflag:s3] =	ssyncset.done $0x0  }
0x1c0: {  	s1 =	simm.s32 $0x80;
	[sflag:s31] =	ssyncadd.s32 $0xFFFFF400;
	[dreg:$0x4] =	wrdreg s0  }
.LBB2_21:
0x1c1: {  	_ =	sfence.sel $0x180000  }
0x1c2: {  	[bflag:$0x0] =	sbarrier.arrive $0xFFFF  }
0x1c3: {  	_ =	strace $0x90000047  }
0x1c4: {  	s0 =	stileid.u32;
	[bflag:$0x2] =	sbarrier.arrive $0xFFFF  }
0x1c5: {  	p0 =	sne.s32 s0, $0x0;
	s0 =	rddreg [dreg:$0x3]  }
0x1c6: {  	s0 =	sadd.s32 @!p0 $0x100000, s0  }
0x1c7: {  	[sflag:s0] =	ssyncadd.tile.s32 @!p0 $0x1;
	_ =	shalt  }
.Lfunc_end2:
_tile_overlayer_lowered:
.L_overlay_start_2:
0x1c8: {  	(tag) =	ssettag $0x2  }
0x1c9: {  	s0 =	rddreg [dreg:$0x0];
	s2 =	stileid.u32  }
0x1ca: {  	s1 =	rddreg [dreg:$0x1];
	p0 =	sne.s32 s2, $0x0  }
0x1cb: {  	s3 =	rddreg [dreg:$0x2];
	[bflag:$0x3] =	sbarrier.arrive $0xFFFF;
	s2 =	simm.s32 @!p0 $0x1C01  }
0x1cc: {  	[timem:s3], [sflag:s2] =	dma.local @!p0 [hbm:s0], s1  }
0x1cd: {  	s0 =	simm.s32 @!p0 $0x1  }
0x1ce: {  	_ =	swait.ge @!p0 [sflag:s0], s1  }
0x1cf: {  	s1 =	ssub.s32 @!p0 $0x0, s1;
	[sflag:s0] =	ssyncset.done @!p0 $0x0  }
0x1d0: {  	[sflag:s0] =	ssyncadd.s32 @!p0 s1  }
0x1d1: {  	[bflag:$0x3] =	sbarrier.arrive $0xFFFF  }
0x1d2: {  	_ =	shalt  }

</sc_bundles>
